<compile_context>
chip_gen: v7x
topology: tpu7x:2x2x1
jax: 0.10.2.dev20260603
libtpu: 0.0.44.dev20260713+nightly
codegen_flags: <defaults>
</compile_context>

<pallas_src>
import functools

import jax
import jax.numpy as jnp
from jax import lax
from jax.experimental import pallas as pl
from jax.experimental.pallas import tpu as pltpu
from jax.experimental.pallas import tpu_sc as plsc

EMB_DIM = 128
NUM_ROWS = 119
TOTAL = 4096 * 200

_info = plsc.get_sparse_core_info()
_NC, _NS = _info.num_cores, _info.num_subcores
_NW = _NC * _NS
_PER_W = TOTAL // _NW
_CHUNK = 80
_NCHUNK = _PER_W // _CHUNK
_NBUF = 8
_NGROUP = _NCHUNK // _NBUF

assert _NCHUNK % _NBUF == 0 and _NGROUP >= 3

_mesh = plsc.VectorSubcoreMesh(core_axis_name="c", subcore_axis_name="s")


@functools.partial(
    pl.kernel,
    mesh=_mesh,
    out_type=jax.ShapeDtypeStruct((TOTAL, EMB_DIM), jnp.float32),
    scratch_types=[pltpu.VMEM((_PER_W,), jnp.int32)]
    + [pltpu.VMEM((_CHUNK, EMB_DIM), jnp.float32) for _ in range(_NBUF)]
    + [pltpu.VMEM_SHARED((NUM_ROWS, EMB_DIM), jnp.float32)]
    + [pltpu.SemaphoreType.DMA for _ in range(2 * _NBUF)],
)
def _emb_lookup(table_hbm, z_hbm, out_hbm, idx_v, *rest):
    bufs = list(rest[:_NBUF])
    tab_sh = rest[_NBUF]
    gsem = list(rest[_NBUF + 1:2 * _NBUF + 1])
    ssem = list(rest[2 * _NBUF + 1:])
    wid = lax.axis_index("s") * _NC + lax.axis_index("c")
    base = wid * _PER_W

    @pl.when(lax.axis_index("s") == 0)
    def _():
        pltpu.sync_copy(table_hbm, tab_sh)

    pltpu.sync_copy(z_hbm.at[pl.ds(base, _PER_W)], idx_v)
    plsc.subcore_barrier()

    def fire_gather(c, j):
        pltpu.async_copy(
            tab_sh.at[idx_v.at[pl.ds(c * _CHUNK, _CHUNK)]], bufs[j], gsem[j])

    def wait_gather(j):
        pltpu.make_async_copy(
            tab_sh.at[idx_v.at[pl.ds(0, _CHUNK)]], bufs[j], gsem[j]).wait()

    def fire_scatter(c, j):
        pltpu.async_copy(
            bufs[j], out_hbm.at[pl.ds(base + c * _CHUNK, _CHUNK)], ssem[j])

    def wait_scatter(j):
        pltpu.make_async_copy(
            bufs[j], out_hbm.at[pl.ds(base, _CHUNK)], ssem[j]).wait()

    for j in range(_NBUF - 1):
        fire_gather(j, j)

    for j in range(_NBUF):
        wait_gather(j)
        fire_scatter(j, j)
        jn = (j + _NBUF - 1) % _NBUF
        if j > 0:
            wait_scatter(jn)
        fire_gather(j + _NBUF - 1, jn)

    def group(g, _):
        c0 = g * _NBUF
        for j in range(_NBUF):
            wait_gather(j)
            fire_scatter(c0 + j, j)
            jn = (j + _NBUF - 1) % _NBUF
            wait_scatter(jn)
            fire_gather(c0 + j + _NBUF - 1, jn)
        return 0

    lax.fori_loop(1, _NGROUP - 1, group, 0)

    c0 = _NCHUNK - _NBUF
    for j in range(_NBUF):
        wait_gather(j)
        fire_scatter(c0 + j, j)
        if j == 0:
            jn = _NBUF - 1
            wait_scatter(jn)
            fire_gather(_NCHUNK - 1, jn)

    for j in range(_NBUF):
        wait_scatter(j)


def kernel(Z, table):
    z_flat = Z.reshape(TOTAL)
    out = _emb_lookup(table, z_flat)
    return out.reshape(Z.shape[0], Z.shape[1], EMB_DIM)

# --- scband reference (transcript-rebuilt; emitter-appended) ---
"""Pipeline reference for scband-element-embedding-25735444038295 (READ-ONLY COPY).

The authoritative reference and input builder live on the scoring server;
editing this copy changes nothing except your own understanding.
"""

import jax, jax.numpy as jnp
import numpy as np

NUM_ELEMENTS = 118
EMB_DIM = 128
B, N = 4096, 200

def setup_inputs(seed: int = 0) -> dict:
    key = jax.random.key(seed)
    k1, k2 = jax.random.split(key)
    Z = jax.random.randint(k1, (B, N), 0, NUM_ELEMENTS + 1, dtype=jnp.int64 if jax.config.jax_enable_x64 else jnp.int32)
    Z = Z.astype(jnp.int32)
    # nn.Embedding default init: N(0, 1)
    table = jax.random.normal(k2, (NUM_ELEMENTS + 1, EMB_DIM), dtype=jnp.float32)
    return {"Z": Z, "table": table}

def reference(Z, table):
    # nn.Embedding forward: row gather
    return jnp.take(table, Z, axis=0)

if __name__ == "__main__":
    import jax
    _d = setup_inputs()
    print(jax.jit(kernel)(*tuple(_d.values())))

</pallas_src>

<mosaic_0001>
#map = affine_map<(d0, d1) -> (0, 0)>
#map1 = affine_map<(d0, d1) -> (0)>
module attributes {stable_mosaic.version = 14 : i64} {
  func.func @_emb_lookup(%arg0: i32, %arg1: i32, %arg2: memref<119x128xf32, #tpu.memory_space<hbm>>, %arg3: memref<819200xi32, #tpu.memory_space<hbm>>, %arg4: memref<819200x128xf32, #tpu.memory_space<hbm>>, %arg5: memref<25600xi32, #tpu.memory_space<vmem>>, %arg6: memref<80x128xf32, #tpu.memory_space<vmem>>, %arg7: memref<80x128xf32, #tpu.memory_space<vmem>>, %arg8: memref<80x128xf32, #tpu.memory_space<vmem>>, %arg9: memref<80x128xf32, #tpu.memory_space<vmem>>, %arg10: memref<80x128xf32, #tpu.memory_space<vmem>>, %arg11: memref<80x128xf32, #tpu.memory_space<vmem>>, %arg12: memref<80x128xf32, #tpu.memory_space<vmem>>, %arg13: memref<80x128xf32, #tpu.memory_space<vmem>>, %arg14: memref<119x128xf32, #tpu.memory_space<vmem_shared>>, %arg15: memref<!tpu.dma_semaphore, #tpu.memory_space<semaphore_mem>>, %arg16: memref<!tpu.dma_semaphore, #tpu.memory_space<semaphore_mem>>, %arg17: memref<!tpu.dma_semaphore, #tpu.memory_space<semaphore_mem>>, %arg18: memref<!tpu.dma_semaphore, #tpu.memory_space<semaphore_mem>>, %arg19: memref<!tpu.dma_semaphore, #tpu.memory_space<semaphore_mem>>, %arg20: memref<!tpu.dma_semaphore, #tpu.memory_space<semaphore_mem>>, %arg21: memref<!tpu.dma_semaphore, #tpu.memory_space<semaphore_mem>>, %arg22: memref<!tpu.dma_semaphore, #tpu.memory_space<semaphore_mem>>, %arg23: memref<!tpu.dma_semaphore, #tpu.memory_space<semaphore_mem>>, %arg24: memref<!tpu.dma_semaphore, #tpu.memory_space<semaphore_mem>>, %arg25: memref<!tpu.dma_semaphore, #tpu.memory_space<semaphore_mem>>, %arg26: memref<!tpu.dma_semaphore, #tpu.memory_space<semaphore_mem>>, %arg27: memref<!tpu.dma_semaphore, #tpu.memory_space<semaphore_mem>>, %arg28: memref<!tpu.dma_semaphore, #tpu.memory_space<semaphore_mem>>, %arg29: memref<!tpu.dma_semaphore, #tpu.memory_space<semaphore_mem>>, %arg30: memref<!tpu.dma_semaphore, #tpu.memory_space<semaphore_mem>>) attributes {dimension_semantics = [#tpu.dimension_semantics<core_parallel>, #tpu.dimension_semantics<subcore_parallel>], iteration_bounds = array<i64: 2, 16>, scalar_prefetch = 0 : i64, scratch_operands = 26 : i64, tpu.core_type = #tpu.core_type<sc_vector_subcore>, window_params = [{transform_indices = #map}, {transform_indices = #map1}, {transform_indices = #map}]} {
    %mul3A = arith.constant 2 : i32
    %mul3A_0 = arith.muli %arg1, %mul3A : i32
    %add3A = arith.addi %mul3A_0, %arg0 : i32
    %mul3A_1 = arith.constant 25600 : i32
    %mul3A_2 = arith.muli %add3A, %mul3A_1 : i32
    %eq3A = arith.constant 0 : i32
    %eq3A_3 = arith.cmpi eq, %arg1, %eq3A : i32
    %convert_element_type3A = arith.extui %eq3A_3 : i1 to i32
    %cond3A = arith.constant 0 : i32
    %cond3A_4 = arith.cmpi ne, %convert_element_type3A, %cond3A : i32
    scf.if %cond3A_4 {
      "tpu.region"() ({
        %run_scoped3A = tpu.sem_alloc : memref<!tpu.dma_semaphore, #tpu.memory_space<semaphore_mem>>
        tpu.enqueue_dma source(%arg2 : memref<119x128xf32, #tpu.memory_space<hbm>>) target(%arg14 : memref<119x128xf32, #tpu.memory_space<vmem_shared>>) target_semaphore(%run_scoped3A : memref<!tpu.dma_semaphore, #tpu.memory_space<semaphore_mem>>)
        tpu.wait_dma2 semaphore(%run_scoped3A : memref<!tpu.dma_semaphore, #tpu.memory_space<semaphore_mem>>) src(%arg2 : memref<119x128xf32, #tpu.memory_space<hbm>>) dst(%arg14 : memref<119x128xf32, #tpu.memory_space<vmem_shared>>)
        tpu.yield
      }) : () -> ()
    } else {
    }
    "tpu.region"() ({
      %run_scoped3A = tpu.sem_alloc : memref<!tpu.dma_semaphore, #tpu.memory_space<semaphore_mem>>
      %dma_start3A_329 = tpu.memref_slice %arg3[%mul3A_2] : memref<819200xi32, #tpu.memory_space<hbm>> -> memref<25600xi32, #tpu.memory_space<hbm>>
      %dma_start3A_330 = tpu.memref_slice %arg3[%mul3A_2] : memref<819200xi32, #tpu.memory_space<hbm>> -> memref<25600xi32, #tpu.memory_space<hbm>>
      tpu.enqueue_dma source(%dma_start3A_330 : memref<25600xi32, #tpu.memory_space<hbm>>) target(%arg5 : memref<25600xi32, #tpu.memory_space<vmem>>) target_semaphore(%run_scoped3A : memref<!tpu.dma_semaphore, #tpu.memory_space<semaphore_mem>>)
      %dma_wait3A_331 = tpu.memref_slice %arg3[%mul3A_2] : memref<819200xi32, #tpu.memory_space<hbm>> -> memref<25600xi32, #tpu.memory_space<hbm>>
      %dma_wait3A_332 = tpu.memref_slice %arg3[%mul3A_2] : memref<819200xi32, #tpu.memory_space<hbm>> -> memref<25600xi32, #tpu.memory_space<hbm>>
      tpu.wait_dma2 semaphore(%run_scoped3A : memref<!tpu.dma_semaphore, #tpu.memory_space<semaphore_mem>>) src(%dma_wait3A_332 : memref<25600xi32, #tpu.memory_space<hbm>>) dst(%arg5 : memref<25600xi32, #tpu.memory_space<vmem>>)
      tpu.yield
    }) : () -> ()
    %barrier3A = arith.constant 0 : index
    tpu.barrier barrier_id(%barrier3A)
    %dma_start3A = arith.constant 0 : i32
    %dma_start3A_5 = tpu.memref_slice %arg5[%dma_start3A] : memref<25600xi32, #tpu.memory_space<vmem>> -> memref<80xi32, #tpu.memory_space<vmem>>
    %dma_start3A_6 = arith.constant 0 : i32
    %dma_start3A_7 = arith.constant 0 : i32
    %dma_start3A_8 = tpu.memref_slice %arg14[%dma_start3A_6, %dma_start3A_7] : memref<119x128xf32, #tpu.memory_space<vmem_shared>> -> memref<119x128xf32, #tpu.memory_space<vmem_shared>>
    tpu.enqueue_indirect_dma source(%dma_start3A_8 : memref<119x128xf32, #tpu.memory_space<vmem_shared>>) target(%arg6 : memref<80x128xf32, #tpu.memory_space<vmem>>) offsets(%dma_start3A_5 : memref<80xi32, #tpu.memory_space<vmem>>) semaphore(%arg15 : memref<!tpu.dma_semaphore, #tpu.memory_space<semaphore_mem>>)
    %dma_start3A_9 = arith.constant 80 : i32
    %dma_start3A_10 = tpu.memref_slice %arg5[%dma_start3A_9] : memref<25600xi32, #tpu.memory_space<vmem>> -> memref<80xi32, #tpu.memory_space<vmem>>
    %dma_start3A_11 = arith.constant 0 : i32
    %dma_start3A_12 = arith.constant 0 : i32
    %dma_start3A_13 = tpu.memref_slice %arg14[%dma_start3A_11, %dma_start3A_12] : memref<119x128xf32, #tpu.memory_space<vmem_shared>> -> memref<119x128xf32, #tpu.memory_space<vmem_shared>>
    tpu.enqueue_indirect_dma source(%dma_start3A_13 : memref<119x128xf32, #tpu.memory_space<vmem_shared>>) target(%arg7 : memref<80x128xf32, #tpu.memory_space<vmem>>) offsets(%dma_start3A_10 : memref<80xi32, #tpu.memory_space<vmem>>) semaphore(%arg16 : memref<!tpu.dma_semaphore, #tpu.memory_space<semaphore_mem>>)
    %dma_start3A_14 = arith.constant 160 : i32
    %dma_start3A_15 = tpu.memref_slice %arg5[%dma_start3A_14] : memref<25600xi32, #tpu.memory_space<vmem>> -> memref<80xi32, #tpu.memory_space<vmem>>
    %dma_start3A_16 = arith.constant 0 : i32
    %dma_start3A_17 = arith.constant 0 : i32
    %dma_start3A_18 = tpu.memref_slice %arg14[%dma_start3A_16, %dma_start3A_17] : memref<119x128xf32, #tpu.memory_space<vmem_shared>> -> memref<119x128xf32, #tpu.memory_space<vmem_shared>>
    tpu.enqueue_indirect_dma source(%dma_start3A_18 : memref<119x128xf32, #tpu.memory_space<vmem_shared>>) target(%arg8 : memref<80x128xf32, #tpu.memory_space<vmem>>) offsets(%dma_start3A_15 : memref<80xi32, #tpu.memory_space<vmem>>) semaphore(%arg17 : memref<!tpu.dma_semaphore, #tpu.memory_space<semaphore_mem>>)
    %dma_start3A_19 = arith.constant 240 : i32
    %dma_start3A_20 = tpu.memref_slice %arg5[%dma_start3A_19] : memref<25600xi32, #tpu.memory_space<vmem>> -> memref<80xi32, #tpu.memory_space<vmem>>
    %dma_start3A_21 = arith.constant 0 : i32
    %dma_start3A_22 = arith.constant 0 : i32
    %dma_start3A_23 = tpu.memref_slice %arg14[%dma_start3A_21, %dma_start3A_22] : memref<119x128xf32, #tpu.memory_space<vmem_shared>> -> memref<119x128xf32, #tpu.memory_space<vmem_shared>>
    tpu.enqueue_indirect_dma source(%dma_start3A_23 : memref<119x128xf32, #tpu.memory_space<vmem_shared>>) target(%arg9 : memref<80x128xf32, #tpu.memory_space<vmem>>) offsets(%dma_start3A_20 : memref<80xi32, #tpu.memory_space<vmem>>) semaphore(%arg18 : memref<!tpu.dma_semaphore, #tpu.memory_space<semaphore_mem>>)
    %dma_start3A_24 = arith.constant 320 : i32
    %dma_start3A_25 = tpu.memref_slice %arg5[%dma_start3A_24] : memref<25600xi32, #tpu.memory_space<vmem>> -> memref<80xi32, #tpu.memory_space<vmem>>
    %dma_start3A_26 = arith.constant 0 : i32
    %dma_start3A_27 = arith.constant 0 : i32
    %dma_start3A_28 = tpu.memref_slice %arg14[%dma_start3A_26, %dma_start3A_27] : memref<119x128xf32, #tpu.memory_space<vmem_shared>> -> memref<119x128xf32, #tpu.memory_space<vmem_shared>>
    tpu.enqueue_indirect_dma source(%dma_start3A_28 : memref<119x128xf32, #tpu.memory_space<vmem_shared>>) target(%arg10 : memref<80x128xf32, #tpu.memory_space<vmem>>) offsets(%dma_start3A_25 : memref<80xi32, #tpu.memory_space<vmem>>) semaphore(%arg19 : memref<!tpu.dma_semaphore, #tpu.memory_space<semaphore_mem>>)
    %dma_start3A_29 = arith.constant 400 : i32
    %dma_start3A_30 = tpu.memref_slice %arg5[%dma_start3A_29] : memref<25600xi32, #tpu.memory_space<vmem>> -> memref<80xi32, #tpu.memory_space<vmem>>
    %dma_start3A_31 = arith.constant 0 : i32
    %dma_start3A_32 = arith.constant 0 : i32
    %dma_start3A_33 = tpu.memref_slice %arg14[%dma_start3A_31, %dma_start3A_32] : memref<119x128xf32, #tpu.memory_space<vmem_shared>> -> memref<119x128xf32, #tpu.memory_space<vmem_shared>>
    tpu.enqueue_indirect_dma source(%dma_start3A_33 : memref<119x128xf32, #tpu.memory_space<vmem_shared>>) target(%arg11 : memref<80x128xf32, #tpu.memory_space<vmem>>) offsets(%dma_start3A_30 : memref<80xi32, #tpu.memory_space<vmem>>) semaphore(%arg20 : memref<!tpu.dma_semaphore, #tpu.memory_space<semaphore_mem>>)
    %dma_start3A_34 = arith.constant 480 : i32
    %dma_start3A_35 = tpu.memref_slice %arg5[%dma_start3A_34] : memref<25600xi32, #tpu.memory_space<vmem>> -> memref<80xi32, #tpu.memory_space<vmem>>
    %dma_start3A_36 = arith.constant 0 : i32
    %dma_start3A_37 = arith.constant 0 : i32
    %dma_start3A_38 = tpu.memref_slice %arg14[%dma_start3A_36, %dma_start3A_37] : memref<119x128xf32, #tpu.memory_space<vmem_shared>> -> memref<119x128xf32, #tpu.memory_space<vmem_shared>>
    tpu.enqueue_indirect_dma source(%dma_start3A_38 : memref<119x128xf32, #tpu.memory_space<vmem_shared>>) target(%arg12 : memref<80x128xf32, #tpu.memory_space<vmem>>) offsets(%dma_start3A_35 : memref<80xi32, #tpu.memory_space<vmem>>) semaphore(%arg21 : memref<!tpu.dma_semaphore, #tpu.memory_space<semaphore_mem>>)
    %dma_wait3A = arith.constant 0 : i32
    %dma_wait3A_39 = tpu.memref_slice %arg5[%dma_wait3A] : memref<25600xi32, #tpu.memory_space<vmem>> -> memref<80xi32, #tpu.memory_space<vmem>>
    %dma_wait3A_40 = arith.constant 0 : i32
    %dma_wait3A_41 = arith.constant 0 : i32
    %dma_wait3A_42 = tpu.memref_slice %arg14[%dma_wait3A_40, %dma_wait3A_41] : memref<119x128xf32, #tpu.memory_space<vmem_shared>> -> memref<119x128xf32, #tpu.memory_space<vmem_shared>>
    tpu.wait_indirect_dma semaphore(%arg15 : memref<!tpu.dma_semaphore, #tpu.memory_space<semaphore_mem>>) src(%dma_wait3A_42 : memref<119x128xf32, #tpu.memory_space<vmem_shared>>) dst(%arg6 : memref<80x128xf32, #tpu.memory_space<vmem>>)
    %add3A_43 = arith.constant 0 : i32
    %add3A_44 = arith.addi %mul3A_2, %add3A_43 : i32
    %dma_start3A_45 = arith.constant 0 : i32
    %dma_start3A_46 = tpu.memref_slice %arg4[%add3A_44, %dma_start3A_45] : memref<819200x128xf32, #tpu.memory_space<hbm>> -> memref<80x128xf32, #tpu.memory_space<hbm>>
    %dma_start3A_47 = arith.constant 0 : i32
    %dma_start3A_48 = tpu.memref_slice %arg4[%add3A_44, %dma_start3A_47] : memref<819200x128xf32, #tpu.memory_space<hbm>> -> memref<80x128xf32, #tpu.memory_space<hbm>>
    tpu.enqueue_dma source(%arg6 : memref<80x128xf32, #tpu.memory_space<vmem>>) target(%dma_start3A_48 : memref<80x128xf32, #tpu.memory_space<hbm>>) target_semaphore(%arg23 : memref<!tpu.dma_semaphore, #tpu.memory_space<semaphore_mem>>)
    %dma_start3A_49 = arith.constant 560 : i32
    %dma_start3A_50 = tpu.memref_slice %arg5[%dma_start3A_49] : memref<25600xi32, #tpu.memory_space<vmem>> -> memref<80xi32, #tpu.memory_space<vmem>>
    %dma_start3A_51 = arith.constant 0 : i32
    %dma_start3A_52 = arith.constant 0 : i32
    %dma_start3A_53 = tpu.memref_slice %arg14[%dma_start3A_51, %dma_start3A_52] : memref<119x128xf32, #tpu.memory_space<vmem_shared>> -> memref<119x128xf32, #tpu.memory_space<vmem_shared>>
    tpu.enqueue_indirect_dma source(%dma_start3A_53 : memref<119x128xf32, #tpu.memory_space<vmem_shared>>) target(%arg13 : memref<80x128xf32, #tpu.memory_space<vmem>>) offsets(%dma_start3A_50 : memref<80xi32, #tpu.memory_space<vmem>>) semaphore(%arg22 : memref<!tpu.dma_semaphore, #tpu.memory_space<semaphore_mem>>)
    %dma_wait3A_54 = arith.constant 0 : i32
    %dma_wait3A_55 = tpu.memref_slice %arg5[%dma_wait3A_54] : memref<25600xi32, #tpu.memory_space<vmem>> -> memref<80xi32, #tpu.memory_space<vmem>>
    %dma_wait3A_56 = arith.constant 0 : i32
    %dma_wait3A_57 = arith.constant 0 : i32
    %dma_wait3A_58 = tpu.memref_slice %arg14[%dma_wait3A_56, %dma_wait3A_57] : memref<119x128xf32, #tpu.memory_space<vmem_shared>> -> memref<119x128xf32, #tpu.memory_space<vmem_shared>>
    tpu.wait_indirect_dma semaphore(%arg16 : memref<!tpu.dma_semaphore, #tpu.memory_space<semaphore_mem>>) src(%dma_wait3A_58 : memref<119x128xf32, #tpu.memory_space<vmem_shared>>) dst(%arg7 : memref<80x128xf32, #tpu.memory_space<vmem>>)
    %add3A_59 = arith.constant 80 : i32
    %add3A_60 = arith.addi %mul3A_2, %add3A_59 : i32
    %dma_start3A_61 = arith.constant 0 : i32
    %dma_start3A_62 = tpu.memref_slice %arg4[%add3A_60, %dma_start3A_61] : memref<819200x128xf32, #tpu.memory_space<hbm>> -> memref<80x128xf32, #tpu.memory_space<hbm>>
    %dma_start3A_63 = arith.constant 0 : i32
    %dma_start3A_64 = tpu.memref_slice %arg4[%add3A_60, %dma_start3A_63] : memref<819200x128xf32, #tpu.memory_space<hbm>> -> memref<80x128xf32, #tpu.memory_space<hbm>>
    tpu.enqueue_dma source(%arg7 : memref<80x128xf32, #tpu.memory_space<vmem>>) target(%dma_start3A_64 : memref<80x128xf32, #tpu.memory_space<hbm>>) target_semaphore(%arg24 : memref<!tpu.dma_semaphore, #tpu.memory_space<semaphore_mem>>)
    %dma_wait3A_65 = arith.constant 0 : i32
    %dma_wait3A_66 = tpu.memref_slice %arg4[%mul3A_2, %dma_wait3A_65] : memref<819200x128xf32, #tpu.memory_space<hbm>> -> memref<80x128xf32, #tpu.memory_space<hbm>>
    %dma_wait3A_67 = arith.constant 0 : i32
    %dma_wait3A_68 = tpu.memref_slice %arg4[%mul3A_2, %dma_wait3A_67] : memref<819200x128xf32, #tpu.memory_space<hbm>> -> memref<80x128xf32, #tpu.memory_space<hbm>>
    tpu.wait_dma2 semaphore(%arg23 : memref<!tpu.dma_semaphore, #tpu.memory_space<semaphore_mem>>) src(%arg6 : memref<80x128xf32, #tpu.memory_space<vmem>>) dst(%dma_wait3A_68 : memref<80x128xf32, #tpu.memory_space<hbm>>)
    %dma_start3A_69 = arith.constant 640 : i32
    %dma_start3A_70 = tpu.memref_slice %arg5[%dma_start3A_69] : memref<25600xi32, #tpu.memory_space<vmem>> -> memref<80xi32, #tpu.memory_space<vmem>>
    %dma_start3A_71 = arith.constant 0 : i32
    %dma_start3A_72 = arith.constant 0 : i32
    %dma_start3A_73 = tpu.memref_slice %arg14[%dma_start3A_71, %dma_start3A_72] : memref<119x128xf32, #tpu.memory_space<vmem_shared>> -> memref<119x128xf32, #tpu.memory_space<vmem_shared>>
    tpu.enqueue_indirect_dma source(%dma_start3A_73 : memref<119x128xf32, #tpu.memory_space<vmem_shared>>) target(%arg6 : memref<80x128xf32, #tpu.memory_space<vmem>>) offsets(%dma_start3A_70 : memref<80xi32, #tpu.memory_space<vmem>>) semaphore(%arg15 : memref<!tpu.dma_semaphore, #tpu.memory_space<semaphore_mem>>)
    %dma_wait3A_74 = arith.constant 0 : i32
    %dma_wait3A_75 = tpu.memref_slice %arg5[%dma_wait3A_74] : memref<25600xi32, #tpu.memory_space<vmem>> -> memref<80xi32, #tpu.memory_space<vmem>>
    %dma_wait3A_76 = arith.constant 0 : i32
    %dma_wait3A_77 = arith.constant 0 : i32
    %dma_wait3A_78 = tpu.memref_slice %arg14[%dma_wait3A_76, %dma_wait3A_77] : memref<119x128xf32, #tpu.memory_space<vmem_shared>> -> memref<119x128xf32, #tpu.memory_space<vmem_shared>>
    tpu.wait_indirect_dma semaphore(%arg17 : memref<!tpu.dma_semaphore, #tpu.memory_space<semaphore_mem>>) src(%dma_wait3A_78 : memref<119x128xf32, #tpu.memory_space<vmem_shared>>) dst(%arg8 : memref<80x128xf32, #tpu.memory_space<vmem>>)
    %add3A_79 = arith.constant 160 : i32
    %add3A_80 = arith.addi %mul3A_2, %add3A_79 : i32
    %dma_start3A_81 = arith.constant 0 : i32
    %dma_start3A_82 = tpu.memref_slice %arg4[%add3A_80, %dma_start3A_81] : memref<819200x128xf32, #tpu.memory_space<hbm>> -> memref<80x128xf32, #tpu.memory_space<hbm>>
    %dma_start3A_83 = arith.constant 0 : i32
    %dma_start3A_84 = tpu.memref_slice %arg4[%add3A_80, %dma_start3A_83] : memref<819200x128xf32, #tpu.memory_space<hbm>> -> memref<80x128xf32, #tpu.memory_space<hbm>>
    tpu.enqueue_dma source(%arg8 : memref<80x128xf32, #tpu.memory_space<vmem>>) target(%dma_start3A_84 : memref<80x128xf32, #tpu.memory_space<hbm>>) target_semaphore(%arg25 : memref<!tpu.dma_semaphore, #tpu.memory_space<semaphore_mem>>)
    %dma_wait3A_85 = arith.constant 0 : i32
    %dma_wait3A_86 = tpu.memref_slice %arg4[%mul3A_2, %dma_wait3A_85] : memref<819200x128xf32, #tpu.memory_space<hbm>> -> memref<80x128xf32, #tpu.memory_space<hbm>>
    %dma_wait3A_87 = arith.constant 0 : i32
    %dma_wait3A_88 = tpu.memref_slice %arg4[%mul3A_2, %dma_wait3A_87] : memref<819200x128xf32, #tpu.memory_space<hbm>> -> memref<80x128xf32, #tpu.memory_space<hbm>>
    tpu.wait_dma2 semaphore(%arg24 : memref<!tpu.dma_semaphore, #tpu.memory_space<semaphore_mem>>) src(%arg7 : memref<80x128xf32, #tpu.memory_space<vmem>>) dst(%dma_wait3A_88 : memref<80x128xf32, #tpu.memory_space<hbm>>)
    %dma_start3A_89 = arith.constant 720 : i32
    %dma_start3A_90 = tpu.memref_slice %arg5[%dma_start3A_89] : memref<25600xi32, #tpu.memory_space<vmem>> -> memref<80xi32, #tpu.memory_space<vmem>>
    %dma_start3A_91 = arith.constant 0 : i32
    %dma_start3A_92 = arith.constant 0 : i32
    %dma_start3A_93 = tpu.memref_slice %arg14[%dma_start3A_91, %dma_start3A_92] : memref<119x128xf32, #tpu.memory_space<vmem_shared>> -> memref<119x128xf32, #tpu.memory_space<vmem_shared>>
    tpu.enqueue_indirect_dma source(%dma_start3A_93 : memref<119x128xf32, #tpu.memory_space<vmem_shared>>) target(%arg7 : memref<80x128xf32, #tpu.memory_space<vmem>>) offsets(%dma_start3A_90 : memref<80xi32, #tpu.memory_space<vmem>>) semaphore(%arg16 : memref<!tpu.dma_semaphore, #tpu.memory_space<semaphore_mem>>)
    %dma_wait3A_94 = arith.constant 0 : i32
    %dma_wait3A_95 = tpu.memref_slice %arg5[%dma_wait3A_94] : memref<25600xi32, #tpu.memory_space<vmem>> -> memref<80xi32, #tpu.memory_space<vmem>>
    %dma_wait3A_96 = arith.constant 0 : i32
    %dma_wait3A_97 = arith.constant 0 : i32
    %dma_wait3A_98 = tpu.memref_slice %arg14[%dma_wait3A_96, %dma_wait3A_97] : memref<119x128xf32, #tpu.memory_space<vmem_shared>> -> memref<119x128xf32, #tpu.memory_space<vmem_shared>>
    tpu.wait_indirect_dma semaphore(%arg18 : memref<!tpu.dma_semaphore, #tpu.memory_space<semaphore_mem>>) src(%dma_wait3A_98 : memref<119x128xf32, #tpu.memory_space<vmem_shared>>) dst(%arg9 : memref<80x128xf32, #tpu.memory_space<vmem>>)
    %add3A_99 = arith.constant 240 : i32
    %add3A_100 = arith.addi %mul3A_2, %add3A_99 : i32
    %dma_start3A_101 = arith.constant 0 : i32
    %dma_start3A_102 = tpu.memref_slice %arg4[%add3A_100, %dma_start3A_101] : memref<819200x128xf32, #tpu.memory_space<hbm>> -> memref<80x128xf32, #tpu.memory_space<hbm>>
    %dma_start3A_103 = arith.constant 0 : i32
    %dma_start3A_104 = tpu.memref_slice %arg4[%add3A_100, %dma_start3A_103] : memref<819200x128xf32, #tpu.memory_space<hbm>> -> memref<80x128xf32, #tpu.memory_space<hbm>>
    tpu.enqueue_dma source(%arg9 : memref<80x128xf32, #tpu.memory_space<vmem>>) target(%dma_start3A_104 : memref<80x128xf32, #tpu.memory_space<hbm>>) target_semaphore(%arg26 : memref<!tpu.dma_semaphore, #tpu.memory_space<semaphore_mem>>)
    %dma_wait3A_105 = arith.constant 0 : i32
    %dma_wait3A_106 = tpu.memref_slice %arg4[%mul3A_2, %dma_wait3A_105] : memref<819200x128xf32, #tpu.memory_space<hbm>> -> memref<80x128xf32, #tpu.memory_space<hbm>>
    %dma_wait3A_107 = arith.constant 0 : i32
    %dma_wait3A_108 = tpu.memref_slice %arg4[%mul3A_2, %dma_wait3A_107] : memref<819200x128xf32, #tpu.memory_space<hbm>> -> memref<80x128xf32, #tpu.memory_space<hbm>>
    tpu.wait_dma2 semaphore(%arg25 : memref<!tpu.dma_semaphore, #tpu.memory_space<semaphore_mem>>) src(%arg8 : memref<80x128xf32, #tpu.memory_space<vmem>>) dst(%dma_wait3A_108 : memref<80x128xf32, #tpu.memory_space<hbm>>)
    %dma_start3A_109 = arith.constant 800 : i32
    %dma_start3A_110 = tpu.memref_slice %arg5[%dma_start3A_109] : memref<25600xi32, #tpu.memory_space<vmem>> -> memref<80xi32, #tpu.memory_space<vmem>>
    %dma_start3A_111 = arith.constant 0 : i32
    %dma_start3A_112 = arith.constant 0 : i32
    %dma_start3A_113 = tpu.memref_slice %arg14[%dma_start3A_111, %dma_start3A_112] : memref<119x128xf32, #tpu.memory_space<vmem_shared>> -> memref<119x128xf32, #tpu.memory_space<vmem_shared>>
    tpu.enqueue_indirect_dma source(%dma_start3A_113 : memref<119x128xf32, #tpu.memory_space<vmem_shared>>) target(%arg8 : memref<80x128xf32, #tpu.memory_space<vmem>>) offsets(%dma_start3A_110 : memref<80xi32, #tpu.memory_space<vmem>>) semaphore(%arg17 : memref<!tpu.dma_semaphore, #tpu.memory_space<semaphore_mem>>)
    %dma_wait3A_114 = arith.constant 0 : i32
    %dma_wait3A_115 = tpu.memref_slice %arg5[%dma_wait3A_114] : memref<25600xi32, #tpu.memory_space<vmem>> -> memref<80xi32, #tpu.memory_space<vmem>>
    %dma_wait3A_116 = arith.constant 0 : i32
    %dma_wait3A_117 = arith.constant 0 : i32
    %dma_wait3A_118 = tpu.memref_slice %arg14[%dma_wait3A_116, %dma_wait3A_117] : memref<119x128xf32, #tpu.memory_space<vmem_shared>> -> memref<119x128xf32, #tpu.memory_space<vmem_shared>>
    tpu.wait_indirect_dma semaphore(%arg19 : memref<!tpu.dma_semaphore, #tpu.memory_space<semaphore_mem>>) src(%dma_wait3A_118 : memref<119x128xf32, #tpu.memory_space<vmem_shared>>) dst(%arg10 : memref<80x128xf32, #tpu.memory_space<vmem>>)
    %add3A_119 = arith.constant 320 : i32
    %add3A_120 = arith.addi %mul3A_2, %add3A_119 : i32
    %dma_start3A_121 = arith.constant 0 : i32
    %dma_start3A_122 = tpu.memref_slice %arg4[%add3A_120, %dma_start3A_121] : memref<819200x128xf32, #tpu.memory_space<hbm>> -> memref<80x128xf32, #tpu.memory_space<hbm>>
    %dma_start3A_123 = arith.constant 0 : i32
    %dma_start3A_124 = tpu.memref_slice %arg4[%add3A_120, %dma_start3A_123] : memref<819200x128xf32, #tpu.memory_space<hbm>> -> memref<80x128xf32, #tpu.memory_space<hbm>>
    tpu.enqueue_dma source(%arg10 : memref<80x128xf32, #tpu.memory_space<vmem>>) target(%dma_start3A_124 : memref<80x128xf32, #tpu.memory_space<hbm>>) target_semaphore(%arg27 : memref<!tpu.dma_semaphore, #tpu.memory_space<semaphore_mem>>)
    %dma_wait3A_125 = arith.constant 0 : i32
    %dma_wait3A_126 = tpu.memref_slice %arg4[%mul3A_2, %dma_wait3A_125] : memref<819200x128xf32, #tpu.memory_space<hbm>> -> memref<80x128xf32, #tpu.memory_space<hbm>>
    %dma_wait3A_127 = arith.constant 0 : i32
    %dma_wait3A_128 = tpu.memref_slice %arg4[%mul3A_2, %dma_wait3A_127] : memref<819200x128xf32, #tpu.memory_space<hbm>> -> memref<80x128xf32, #tpu.memory_space<hbm>>
    tpu.wait_dma2 semaphore(%arg26 : memref<!tpu.dma_semaphore, #tpu.memory_space<semaphore_mem>>) src(%arg9 : memref<80x128xf32, #tpu.memory_space<vmem>>) dst(%dma_wait3A_128 : memref<80x128xf32, #tpu.memory_space<hbm>>)
    %dma_start3A_129 = arith.constant 880 : i32
    %dma_start3A_130 = tpu.memref_slice %arg5[%dma_start3A_129] : memref<25600xi32, #tpu.memory_space<vmem>> -> memref<80xi32, #tpu.memory_space<vmem>>
    %dma_start3A_131 = arith.constant 0 : i32
    %dma_start3A_132 = arith.constant 0 : i32
    %dma_start3A_133 = tpu.memref_slice %arg14[%dma_start3A_131, %dma_start3A_132] : memref<119x128xf32, #tpu.memory_space<vmem_shared>> -> memref<119x128xf32, #tpu.memory_space<vmem_shared>>
    tpu.enqueue_indirect_dma source(%dma_start3A_133 : memref<119x128xf32, #tpu.memory_space<vmem_shared>>) target(%arg9 : memref<80x128xf32, #tpu.memory_space<vmem>>) offsets(%dma_start3A_130 : memref<80xi32, #tpu.memory_space<vmem>>) semaphore(%arg18 : memref<!tpu.dma_semaphore, #tpu.memory_space<semaphore_mem>>)
    %dma_wait3A_134 = arith.constant 0 : i32
    %dma_wait3A_135 = tpu.memref_slice %arg5[%dma_wait3A_134] : memref<25600xi32, #tpu.memory_space<vmem>> -> memref<80xi32, #tpu.memory_space<vmem>>
    %dma_wait3A_136 = arith.constant 0 : i32
    %dma_wait3A_137 = arith.constant 0 : i32
    %dma_wait3A_138 = tpu.memref_slice %arg14[%dma_wait3A_136, %dma_wait3A_137] : memref<119x128xf32, #tpu.memory_space<vmem_shared>> -> memref<119x128xf32, #tpu.memory_space<vmem_shared>>
    tpu.wait_indirect_dma semaphore(%arg20 : memref<!tpu.dma_semaphore, #tpu.memory_space<semaphore_mem>>) src(%dma_wait3A_138 : memref<119x128xf32, #tpu.memory_space<vmem_shared>>) dst(%arg11 : memref<80x128xf32, #tpu.memory_space<vmem>>)
    %add3A_139 = arith.constant 400 : i32
    %add3A_140 = arith.addi %mul3A_2, %add3A_139 : i32
    %dma_start3A_141 = arith.constant 0 : i32
    %dma_start3A_142 = tpu.memref_slice %arg4[%add3A_140, %dma_start3A_141] : memref<819200x128xf32, #tpu.memory_space<hbm>> -> memref<80x128xf32, #tpu.memory_space<hbm>>
    %dma_start3A_143 = arith.constant 0 : i32
    %dma_start3A_144 = tpu.memref_slice %arg4[%add3A_140, %dma_start3A_143] : memref<819200x128xf32, #tpu.memory_space<hbm>> -> memref<80x128xf32, #tpu.memory_space<hbm>>
    tpu.enqueue_dma source(%arg11 : memref<80x128xf32, #tpu.memory_space<vmem>>) target(%dma_start3A_144 : memref<80x128xf32, #tpu.memory_space<hbm>>) target_semaphore(%arg28 : memref<!tpu.dma_semaphore, #tpu.memory_space<semaphore_mem>>)
    %dma_wait3A_145 = arith.constant 0 : i32
    %dma_wait3A_146 = tpu.memref_slice %arg4[%mul3A_2, %dma_wait3A_145] : memref<819200x128xf32, #tpu.memory_space<hbm>> -> memref<80x128xf32, #tpu.memory_space<hbm>>
    %dma_wait3A_147 = arith.constant 0 : i32
    %dma_wait3A_148 = tpu.memref_slice %arg4[%mul3A_2, %dma_wait3A_147] : memref<819200x128xf32, #tpu.memory_space<hbm>> -> memref<80x128xf32, #tpu.memory_space<hbm>>
    tpu.wait_dma2 semaphore(%arg27 : memref<!tpu.dma_semaphore, #tpu.memory_space<semaphore_mem>>) src(%arg10 : memref<80x128xf32, #tpu.memory_space<vmem>>) dst(%dma_wait3A_148 : memref<80x128xf32, #tpu.memory_space<hbm>>)
    %dma_start3A_149 = arith.constant 960 : i32
    %dma_start3A_150 = tpu.memref_slice %arg5[%dma_start3A_149] : memref<25600xi32, #tpu.memory_space<vmem>> -> memref<80xi32, #tpu.memory_space<vmem>>
    %dma_start3A_151 = arith.constant 0 : i32
    %dma_start3A_152 = arith.constant 0 : i32
    %dma_start3A_153 = tpu.memref_slice %arg14[%dma_start3A_151, %dma_start3A_152] : memref<119x128xf32, #tpu.memory_space<vmem_shared>> -> memref<119x128xf32, #tpu.memory_space<vmem_shared>>
    tpu.enqueue_indirect_dma source(%dma_start3A_153 : memref<119x128xf32, #tpu.memory_space<vmem_shared>>) target(%arg10 : memref<80x128xf32, #tpu.memory_space<vmem>>) offsets(%dma_start3A_150 : memref<80xi32, #tpu.memory_space<vmem>>) semaphore(%arg19 : memref<!tpu.dma_semaphore, #tpu.memory_space<semaphore_mem>>)
    %dma_wait3A_154 = arith.constant 0 : i32
    %dma_wait3A_155 = tpu.memref_slice %arg5[%dma_wait3A_154] : memref<25600xi32, #tpu.memory_space<vmem>> -> memref<80xi32, #tpu.memory_space<vmem>>
    %dma_wait3A_156 = arith.constant 0 : i32
    %dma_wait3A_157 = arith.constant 0 : i32
    %dma_wait3A_158 = tpu.memref_slice %arg14[%dma_wait3A_156, %dma_wait3A_157] : memref<119x128xf32, #tpu.memory_space<vmem_shared>> -> memref<119x128xf32, #tpu.memory_space<vmem_shared>>
    tpu.wait_indirect_dma semaphore(%arg21 : memref<!tpu.dma_semaphore, #tpu.memory_space<semaphore_mem>>) src(%dma_wait3A_158 : memref<119x128xf32, #tpu.memory_space<vmem_shared>>) dst(%arg12 : memref<80x128xf32, #tpu.memory_space<vmem>>)
    %add3A_159 = arith.constant 480 : i32
    %add3A_160 = arith.addi %mul3A_2, %add3A_159 : i32
    %dma_start3A_161 = arith.constant 0 : i32
    %dma_start3A_162 = tpu.memref_slice %arg4[%add3A_160, %dma_start3A_161] : memref<819200x128xf32, #tpu.memory_space<hbm>> -> memref<80x128xf32, #tpu.memory_space<hbm>>
    %dma_start3A_163 = arith.constant 0 : i32
    %dma_start3A_164 = tpu.memref_slice %arg4[%add3A_160, %dma_start3A_163] : memref<819200x128xf32, #tpu.memory_space<hbm>> -> memref<80x128xf32, #tpu.memory_space<hbm>>
    tpu.enqueue_dma source(%arg12 : memref<80x128xf32, #tpu.memory_space<vmem>>) target(%dma_start3A_164 : memref<80x128xf32, #tpu.memory_space<hbm>>) target_semaphore(%arg29 : memref<!tpu.dma_semaphore, #tpu.memory_space<semaphore_mem>>)
    %dma_wait3A_165 = arith.constant 0 : i32
    %dma_wait3A_166 = tpu.memref_slice %arg4[%mul3A_2, %dma_wait3A_165] : memref<819200x128xf32, #tpu.memory_space<hbm>> -> memref<80x128xf32, #tpu.memory_space<hbm>>
    %dma_wait3A_167 = arith.constant 0 : i32
    %dma_wait3A_168 = tpu.memref_slice %arg4[%mul3A_2, %dma_wait3A_167] : memref<819200x128xf32, #tpu.memory_space<hbm>> -> memref<80x128xf32, #tpu.memory_space<hbm>>
    tpu.wait_dma2 semaphore(%arg28 : memref<!tpu.dma_semaphore, #tpu.memory_space<semaphore_mem>>) src(%arg11 : memref<80x128xf32, #tpu.memory_space<vmem>>) dst(%dma_wait3A_168 : memref<80x128xf32, #tpu.memory_space<hbm>>)
    %dma_start3A_169 = arith.constant 1040 : i32
    %dma_start3A_170 = tpu.memref_slice %arg5[%dma_start3A_169] : memref<25600xi32, #tpu.memory_space<vmem>> -> memref<80xi32, #tpu.memory_space<vmem>>
    %dma_start3A_171 = arith.constant 0 : i32
    %dma_start3A_172 = arith.constant 0 : i32
    %dma_start3A_173 = tpu.memref_slice %arg14[%dma_start3A_171, %dma_start3A_172] : memref<119x128xf32, #tpu.memory_space<vmem_shared>> -> memref<119x128xf32, #tpu.memory_space<vmem_shared>>
    tpu.enqueue_indirect_dma source(%dma_start3A_173 : memref<119x128xf32, #tpu.memory_space<vmem_shared>>) target(%arg11 : memref<80x128xf32, #tpu.memory_space<vmem>>) offsets(%dma_start3A_170 : memref<80xi32, #tpu.memory_space<vmem>>) semaphore(%arg20 : memref<!tpu.dma_semaphore, #tpu.memory_space<semaphore_mem>>)
    %dma_wait3A_174 = arith.constant 0 : i32
    %dma_wait3A_175 = tpu.memref_slice %arg5[%dma_wait3A_174] : memref<25600xi32, #tpu.memory_space<vmem>> -> memref<80xi32, #tpu.memory_space<vmem>>
    %dma_wait3A_176 = arith.constant 0 : i32
    %dma_wait3A_177 = arith.constant 0 : i32
    %dma_wait3A_178 = tpu.memref_slice %arg14[%dma_wait3A_176, %dma_wait3A_177] : memref<119x128xf32, #tpu.memory_space<vmem_shared>> -> memref<119x128xf32, #tpu.memory_space<vmem_shared>>
    tpu.wait_indirect_dma semaphore(%arg22 : memref<!tpu.dma_semaphore, #tpu.memory_space<semaphore_mem>>) src(%dma_wait3A_178 : memref<119x128xf32, #tpu.memory_space<vmem_shared>>) dst(%arg13 : memref<80x128xf32, #tpu.memory_space<vmem>>)
    %add3A_179 = arith.constant 560 : i32
    %add3A_180 = arith.addi %mul3A_2, %add3A_179 : i32
    %dma_start3A_181 = arith.constant 0 : i32
    %dma_start3A_182 = tpu.memref_slice %arg4[%add3A_180, %dma_start3A_181] : memref<819200x128xf32, #tpu.memory_space<hbm>> -> memref<80x128xf32, #tpu.memory_space<hbm>>
    %dma_start3A_183 = arith.constant 0 : i32
    %dma_start3A_184 = tpu.memref_slice %arg4[%add3A_180, %dma_start3A_183] : memref<819200x128xf32, #tpu.memory_space<hbm>> -> memref<80x128xf32, #tpu.memory_space<hbm>>
    tpu.enqueue_dma source(%arg13 : memref<80x128xf32, #tpu.memory_space<vmem>>) target(%dma_start3A_184 : memref<80x128xf32, #tpu.memory_space<hbm>>) target_semaphore(%arg30 : memref<!tpu.dma_semaphore, #tpu.memory_space<semaphore_mem>>)
    %dma_wait3A_185 = arith.constant 0 : i32
    %dma_wait3A_186 = tpu.memref_slice %arg4[%mul3A_2, %dma_wait3A_185] : memref<819200x128xf32, #tpu.memory_space<hbm>> -> memref<80x128xf32, #tpu.memory_space<hbm>>
    %dma_wait3A_187 = arith.constant 0 : i32
    %dma_wait3A_188 = tpu.memref_slice %arg4[%mul3A_2, %dma_wait3A_187] : memref<819200x128xf32, #tpu.memory_space<hbm>> -> memref<80x128xf32, #tpu.memory_space<hbm>>
    tpu.wait_dma2 semaphore(%arg29 : memref<!tpu.dma_semaphore, #tpu.memory_space<semaphore_mem>>) src(%arg12 : memref<80x128xf32, #tpu.memory_space<vmem>>) dst(%dma_wait3A_188 : memref<80x128xf32, #tpu.memory_space<hbm>>)
    %dma_start3A_189 = arith.constant 1120 : i32
    %dma_start3A_190 = tpu.memref_slice %arg5[%dma_start3A_189] : memref<25600xi32, #tpu.memory_space<vmem>> -> memref<80xi32, #tpu.memory_space<vmem>>
    %dma_start3A_191 = arith.constant 0 : i32
    %dma_start3A_192 = arith.constant 0 : i32
    %dma_start3A_193 = tpu.memref_slice %arg14[%dma_start3A_191, %dma_start3A_192] : memref<119x128xf32, #tpu.memory_space<vmem_shared>> -> memref<119x128xf32, #tpu.memory_space<vmem_shared>>
    tpu.enqueue_indirect_dma source(%dma_start3A_193 : memref<119x128xf32, #tpu.memory_space<vmem_shared>>) target(%arg12 : memref<80x128xf32, #tpu.memory_space<vmem>>) offsets(%dma_start3A_190 : memref<80xi32, #tpu.memory_space<vmem>>) semaphore(%arg21 : memref<!tpu.dma_semaphore, #tpu.memory_space<semaphore_mem>>)
    %scan3A = arith.constant 0 : i32
    %scan3A_194 = arith.constant 1 : i32
    %scan3A_195 = arith.constant 38 : i32
    %scan3A_196 = arith.addi %scan3A_194, %scan3A_195 : i32
    %scan3A_197 = arith.constant 1 : i32
    %scan3A_198 = scf.for %scan3A_329 = %scan3A_194 to %scan3A_196 step %scan3A_197 iter_args(%scan3A_330 = %scan3A) -> (i32)  : i32 {
      %mul3A_331 = arith.constant 8 : i32
      %mul3A_332 = arith.muli %scan3A_329, %mul3A_331 : i32
      %dma_wait3A_333 = arith.constant 0 : i32
      %dma_wait3A_334 = tpu.memref_slice %arg5[%dma_wait3A_333] : memref<25600xi32, #tpu.memory_space<vmem>> -> memref<80xi32, #tpu.memory_space<vmem>>
      %dma_wait3A_335 = arith.constant 0 : i32
      %dma_wait3A_336 = arith.constant 0 : i32
      %dma_wait3A_337 = tpu.memref_slice %arg14[%dma_wait3A_335, %dma_wait3A_336] : memref<119x128xf32, #tpu.memory_space<vmem_shared>> -> memref<119x128xf32, #tpu.memory_space<vmem_shared>>
      tpu.wait_indirect_dma semaphore(%arg15 : memref<!tpu.dma_semaphore, #tpu.memory_space<semaphore_mem>>) src(%dma_wait3A_337 : memref<119x128xf32, #tpu.memory_space<vmem_shared>>) dst(%arg6 : memref<80x128xf32, #tpu.memory_space<vmem>>)
      %add3A_338 = arith.constant 0 : i32
      %add3A_339 = arith.addi %mul3A_332, %add3A_338 : i32
      %mul3A_340 = arith.constant 80 : i32
      %mul3A_341 = arith.muli %add3A_339, %mul3A_340 : i32
      %add3A_342 = arith.addi %mul3A_2, %mul3A_341 : i32
      %dma_start3A_343 = arith.constant 0 : i32
      %dma_start3A_344 = tpu.memref_slice %arg4[%add3A_342, %dma_start3A_343] : memref<819200x128xf32, #tpu.memory_space<hbm>> -> memref<80x128xf32, #tpu.memory_space<hbm>>
      %dma_start3A_345 = arith.constant 0 : i32
      %dma_start3A_346 = tpu.memref_slice %arg4[%add3A_342, %dma_start3A_345] : memref<819200x128xf32, #tpu.memory_space<hbm>> -> memref<80x128xf32, #tpu.memory_space<hbm>>
      tpu.enqueue_dma source(%arg6 : memref<80x128xf32, #tpu.memory_space<vmem>>) target(%dma_start3A_346 : memref<80x128xf32, #tpu.memory_space<hbm>>) target_semaphore(%arg23 : memref<!tpu.dma_semaphore, #tpu.memory_space<semaphore_mem>>)
      %dma_wait3A_347 = arith.constant 0 : i32
      %dma_wait3A_348 = tpu.memref_slice %arg4[%mul3A_2, %dma_wait3A_347] : memref<819200x128xf32, #tpu.memory_space<hbm>> -> memref<80x128xf32, #tpu.memory_space<hbm>>
      %dma_wait3A_349 = arith.constant 0 : i32
      %dma_wait3A_350 = tpu.memref_slice %arg4[%mul3A_2, %dma_wait3A_349] : memref<819200x128xf32, #tpu.memory_space<hbm>> -> memref<80x128xf32, #tpu.memory_space<hbm>>
      tpu.wait_dma2 semaphore(%arg30 : memref<!tpu.dma_semaphore, #tpu.memory_space<semaphore_mem>>) src(%arg13 : memref<80x128xf32, #tpu.memory_space<vmem>>) dst(%dma_wait3A_350 : memref<80x128xf32, #tpu.memory_space<hbm>>)
      %add3A_351 = arith.constant 0 : i32
      %add3A_352 = arith.addi %mul3A_332, %add3A_351 : i32
      %add3A_353 = arith.constant 8 : i32
      %add3A_354 = arith.addi %add3A_352, %add3A_353 : i32
      %sub3A = arith.constant 1 : i32
      %sub3A_355 = arith.subi %add3A_354, %sub3A : i32
      %mul3A_356 = arith.constant 80 : i32
      %mul3A_357 = arith.muli %sub3A_355, %mul3A_356 : i32
      %dma_start3A_358 = tpu.memref_slice %arg5[%mul3A_357] : memref<25600xi32, #tpu.memory_space<vmem>> -> memref<80xi32, #tpu.memory_space<vmem>>
      %dma_start3A_359 = arith.constant 0 : i32
      %dma_start3A_360 = arith.constant 0 : i32
      %dma_start3A_361 = tpu.memref_slice %arg14[%dma_start3A_359, %dma_start3A_360] : memref<119x128xf32, #tpu.memory_space<vmem_shared>> -> memref<119x128xf32, #tpu.memory_space<vmem_shared>>
      tpu.enqueue_indirect_dma source(%dma_start3A_361 : memref<119x128xf32, #tpu.memory_space<vmem_shared>>) target(%arg13 : memref<80x128xf32, #tpu.memory_space<vmem>>) offsets(%dma_start3A_358 : memref<80xi32, #tpu.memory_space<vmem>>) semaphore(%arg22 : memref<!tpu.dma_semaphore, #tpu.memory_space<semaphore_mem>>)
      %dma_wait3A_362 = arith.constant 0 : i32
      %dma_wait3A_363 = tpu.memref_slice %arg5[%dma_wait3A_362] : memref<25600xi32, #tpu.memory_space<vmem>> -> memref<80xi32, #tpu.memory_space<vmem>>
      %dma_wait3A_364 = arith.constant 0 : i32
      %dma_wait3A_365 = arith.constant 0 : i32
      %dma_wait3A_366 = tpu.memref_slice %arg14[%dma_wait3A_364, %dma_wait3A_365] : memref<119x128xf32, #tpu.memory_space<vmem_shared>> -> memref<119x128xf32, #tpu.memory_space<vmem_shared>>
      tpu.wait_indirect_dma semaphore(%arg16 : memref<!tpu.dma_semaphore, #tpu.memory_space<semaphore_mem>>) src(%dma_wait3A_366 : memref<119x128xf32, #tpu.memory_space<vmem_shared>>) dst(%arg7 : memref<80x128xf32, #tpu.memory_space<vmem>>)
      %add3A_367 = arith.constant 1 : i32
      %add3A_368 = arith.addi %mul3A_332, %add3A_367 : i32
      %mul3A_369 = arith.constant 80 : i32
      %mul3A_370 = arith.muli %add3A_368, %mul3A_369 : i32
      %add3A_371 = arith.addi %mul3A_2, %mul3A_370 : i32
      %dma_start3A_372 = arith.constant 0 : i32
      %dma_start3A_373 = tpu.memref_slice %arg4[%add3A_371, %dma_start3A_372] : memref<819200x128xf32, #tpu.memory_space<hbm>> -> memref<80x128xf32, #tpu.memory_space<hbm>>
      %dma_start3A_374 = arith.constant 0 : i32
      %dma_start3A_375 = tpu.memref_slice %arg4[%add3A_371, %dma_start3A_374] : memref<819200x128xf32, #tpu.memory_space<hbm>> -> memref<80x128xf32, #tpu.memory_space<hbm>>
      tpu.enqueue_dma source(%arg7 : memref<80x128xf32, #tpu.memory_space<vmem>>) target(%dma_start3A_375 : memref<80x128xf32, #tpu.memory_space<hbm>>) target_semaphore(%arg24 : memref<!tpu.dma_semaphore, #tpu.memory_space<semaphore_mem>>)
      %dma_wait3A_376 = arith.constant 0 : i32
      %dma_wait3A_377 = tpu.memref_slice %arg4[%mul3A_2, %dma_wait3A_376] : memref<819200x128xf32, #tpu.memory_space<hbm>> -> memref<80x128xf32, #tpu.memory_space<hbm>>
      %dma_wait3A_378 = arith.constant 0 : i32
      %dma_wait3A_379 = tpu.memref_slice %arg4[%mul3A_2, %dma_wait3A_378] : memref<819200x128xf32, #tpu.memory_space<hbm>> -> memref<80x128xf32, #tpu.memory_space<hbm>>
      tpu.wait_dma2 semaphore(%arg23 : memref<!tpu.dma_semaphore, #tpu.memory_space<semaphore_mem>>) src(%arg6 : memref<80x128xf32, #tpu.memory_space<vmem>>) dst(%dma_wait3A_379 : memref<80x128xf32, #tpu.memory_space<hbm>>)
      %add3A_380 = arith.constant 1 : i32
      %add3A_381 = arith.addi %mul3A_332, %add3A_380 : i32
      %add3A_382 = arith.constant 8 : i32
      %add3A_383 = arith.addi %add3A_381, %add3A_382 : i32
      %sub3A_384 = arith.constant 1 : i32
      %sub3A_385 = arith.subi %add3A_383, %sub3A_384 : i32
      %mul3A_386 = arith.constant 80 : i32
      %mul3A_387 = arith.muli %sub3A_385, %mul3A_386 : i32
      %dma_start3A_388 = tpu.memref_slice %arg5[%mul3A_387] : memref<25600xi32, #tpu.memory_space<vmem>> -> memref<80xi32, #tpu.memory_space<vmem>>
      %dma_start3A_389 = arith.constant 0 : i32
      %dma_start3A_390 = arith.constant 0 : i32
      %dma_start3A_391 = tpu.memref_slice %arg14[%dma_start3A_389, %dma_start3A_390] : memref<119x128xf32, #tpu.memory_space<vmem_shared>> -> memref<119x128xf32, #tpu.memory_space<vmem_shared>>
      tpu.enqueue_indirect_dma source(%dma_start3A_391 : memref<119x128xf32, #tpu.memory_space<vmem_shared>>) target(%arg6 : memref<80x128xf32, #tpu.memory_space<vmem>>) offsets(%dma_start3A_388 : memref<80xi32, #tpu.memory_space<vmem>>) semaphore(%arg15 : memref<!tpu.dma_semaphore, #tpu.memory_space<semaphore_mem>>)
      %dma_wait3A_392 = arith.constant 0 : i32
      %dma_wait3A_393 = tpu.memref_slice %arg5[%dma_wait3A_392] : memref<25600xi32, #tpu.memory_space<vmem>> -> memref<80xi32, #tpu.memory_space<vmem>>
      %dma_wait3A_394 = arith.constant 0 : i32
      %dma_wait3A_395 = arith.constant 0 : i32
      %dma_wait3A_396 = tpu.memref_slice %arg14[%dma_wait3A_394, %dma_wait3A_395] : memref<119x128xf32, #tpu.memory_space<vmem_shared>> -> memref<119x128xf32, #tpu.memory_space<vmem_shared>>
      tpu.wait_indirect_dma semaphore(%arg17 : memref<!tpu.dma_semaphore, #tpu.memory_space<semaphore_mem>>) src(%dma_wait3A_396 : memref<119x128xf32, #tpu.memory_space<vmem_shared>>) dst(%arg8 : memref<80x128xf32, #tpu.memory_space<vmem>>)
      %add3A_397 = arith.constant 2 : i32
      %add3A_398 = arith.addi %mul3A_332, %add3A_397 : i32
      %mul3A_399 = arith.constant 80 : i32
      %mul3A_400 = arith.muli %add3A_398, %mul3A_399 : i32
      %add3A_401 = arith.addi %mul3A_2, %mul3A_400 : i32
      %dma_start3A_402 = arith.constant 0 : i32
      %dma_start3A_403 = tpu.memref_slice %arg4[%add3A_401, %dma_start3A_402] : memref<819200x128xf32, #tpu.memory_space<hbm>> -> memref<80x128xf32, #tpu.memory_space<hbm>>
      %dma_start3A_404 = arith.constant 0 : i32
      %dma_start3A_405 = tpu.memref_slice %arg4[%add3A_401, %dma_start3A_404] : memref<819200x128xf32, #tpu.memory_space<hbm>> -> memref<80x128xf32, #tpu.memory_space<hbm>>
      tpu.enqueue_dma source(%arg8 : memref<80x128xf32, #tpu.memory_space<vmem>>) target(%dma_start3A_405 : memref<80x128xf32, #tpu.memory_space<hbm>>) target_semaphore(%arg25 : memref<!tpu.dma_semaphore, #tpu.memory_space<semaphore_mem>>)
      %dma_wait3A_406 = arith.constant 0 : i32
      %dma_wait3A_407 = tpu.memref_slice %arg4[%mul3A_2, %dma_wait3A_406] : memref<819200x128xf32, #tpu.memory_space<hbm>> -> memref<80x128xf32, #tpu.memory_space<hbm>>
      %dma_wait3A_408 = arith.constant 0 : i32
      %dma_wait3A_409 = tpu.memref_slice %arg4[%mul3A_2, %dma_wait3A_408] : memref<819200x128xf32, #tpu.memory_space<hbm>> -> memref<80x128xf32, #tpu.memory_space<hbm>>
      tpu.wait_dma2 semaphore(%arg24 : memref<!tpu.dma_semaphore, #tpu.memory_space<semaphore_mem>>) src(%arg7 : memref<80x128xf32, #tpu.memory_space<vmem>>) dst(%dma_wait3A_409 : memref<80x128xf32, #tpu.memory_space<hbm>>)
      %add3A_410 = arith.constant 2 : i32
      %add3A_411 = arith.addi %mul3A_332, %add3A_410 : i32
      %add3A_412 = arith.constant 8 : i32
      %add3A_413 = arith.addi %add3A_411, %add3A_412 : i32
      %sub3A_414 = arith.constant 1 : i32
      %sub3A_415 = arith.subi %add3A_413, %sub3A_414 : i32
      %mul3A_416 = arith.constant 80 : i32
      %mul3A_417 = arith.muli %sub3A_415, %mul3A_416 : i32
      %dma_start3A_418 = tpu.memref_slice %arg5[%mul3A_417] : memref<25600xi32, #tpu.memory_space<vmem>> -> memref<80xi32, #tpu.memory_space<vmem>>
      %dma_start3A_419 = arith.constant 0 : i32
      %dma_start3A_420 = arith.constant 0 : i32
      %dma_start3A_421 = tpu.memref_slice %arg14[%dma_start3A_419, %dma_start3A_420] : memref<119x128xf32, #tpu.memory_space<vmem_shared>> -> memref<119x128xf32, #tpu.memory_space<vmem_shared>>
      tpu.enqueue_indirect_dma source(%dma_start3A_421 : memref<119x128xf32, #tpu.memory_space<vmem_shared>>) target(%arg7 : memref<80x128xf32, #tpu.memory_space<vmem>>) offsets(%dma_start3A_418 : memref<80xi32, #tpu.memory_space<vmem>>) semaphore(%arg16 : memref<!tpu.dma_semaphore, #tpu.memory_space<semaphore_mem>>)
      %dma_wait3A_422 = arith.constant 0 : i32
      %dma_wait3A_423 = tpu.memref_slice %arg5[%dma_wait3A_422] : memref<25600xi32, #tpu.memory_space<vmem>> -> memref<80xi32, #tpu.memory_space<vmem>>
      %dma_wait3A_424 = arith.constant 0 : i32
      %dma_wait3A_425 = arith.constant 0 : i32
      %dma_wait3A_426 = tpu.memref_slice %arg14[%dma_wait3A_424, %dma_wait3A_425] : memref<119x128xf32, #tpu.memory_space<vmem_shared>> -> memref<119x128xf32, #tpu.memory_space<vmem_shared>>
      tpu.wait_indirect_dma semaphore(%arg18 : memref<!tpu.dma_semaphore, #tpu.memory_space<semaphore_mem>>) src(%dma_wait3A_426 : memref<119x128xf32, #tpu.memory_space<vmem_shared>>) dst(%arg9 : memref<80x128xf32, #tpu.memory_space<vmem>>)
      %add3A_427 = arith.constant 3 : i32
      %add3A_428 = arith.addi %mul3A_332, %add3A_427 : i32
      %mul3A_429 = arith.constant 80 : i32
      %mul3A_430 = arith.muli %add3A_428, %mul3A_429 : i32
      %add3A_431 = arith.addi %mul3A_2, %mul3A_430 : i32
      %dma_start3A_432 = arith.constant 0 : i32
      %dma_start3A_433 = tpu.memref_slice %arg4[%add3A_431, %dma_start3A_432] : memref<819200x128xf32, #tpu.memory_space<hbm>> -> memref<80x128xf32, #tpu.memory_space<hbm>>
      %dma_start3A_434 = arith.constant 0 : i32
      %dma_start3A_435 = tpu.memref_slice %arg4[%add3A_431, %dma_start3A_434] : memref<819200x128xf32, #tpu.memory_space<hbm>> -> memref<80x128xf32, #tpu.memory_space<hbm>>
      tpu.enqueue_dma source(%arg9 : memref<80x128xf32, #tpu.memory_space<vmem>>) target(%dma_start3A_435 : memref<80x128xf32, #tpu.memory_space<hbm>>) target_semaphore(%arg26 : memref<!tpu.dma_semaphore, #tpu.memory_space<semaphore_mem>>)
      %dma_wait3A_436 = arith.constant 0 : i32
      %dma_wait3A_437 = tpu.memref_slice %arg4[%mul3A_2, %dma_wait3A_436] : memref<819200x128xf32, #tpu.memory_space<hbm>> -> memref<80x128xf32, #tpu.memory_space<hbm>>
      %dma_wait3A_438 = arith.constant 0 : i32
      %dma_wait3A_439 = tpu.memref_slice %arg4[%mul3A_2, %dma_wait3A_438] : memref<819200x128xf32, #tpu.memory_space<hbm>> -> memref<80x128xf32, #tpu.memory_space<hbm>>
      tpu.wait_dma2 semaphore(%arg25 : memref<!tpu.dma_semaphore, #tpu.memory_space<semaphore_mem>>) src(%arg8 : memref<80x128xf32, #tpu.memory_space<vmem>>) dst(%dma_wait3A_439 : memref<80x128xf32, #tpu.memory_space<hbm>>)
      %add3A_440 = arith.constant 3 : i32
      %add3A_441 = arith.addi %mul3A_332, %add3A_440 : i32
      %add3A_442 = arith.constant 8 : i32
      %add3A_443 = arith.addi %add3A_441, %add3A_442 : i32
      %sub3A_444 = arith.constant 1 : i32
      %sub3A_445 = arith.subi %add3A_443, %sub3A_444 : i32
      %mul3A_446 = arith.constant 80 : i32
      %mul3A_447 = arith.muli %sub3A_445, %mul3A_446 : i32
      %dma_start3A_448 = tpu.memref_slice %arg5[%mul3A_447] : memref<25600xi32, #tpu.memory_space<vmem>> -> memref<80xi32, #tpu.memory_space<vmem>>
      %dma_start3A_449 = arith.constant 0 : i32
      %dma_start3A_450 = arith.constant 0 : i32
      %dma_start3A_451 = tpu.memref_slice %arg14[%dma_start3A_449, %dma_start3A_450] : memref<119x128xf32, #tpu.memory_space<vmem_shared>> -> memref<119x128xf32, #tpu.memory_space<vmem_shared>>
      tpu.enqueue_indirect_dma source(%dma_start3A_451 : memref<119x128xf32, #tpu.memory_space<vmem_shared>>) target(%arg8 : memref<80x128xf32, #tpu.memory_space<vmem>>) offsets(%dma_start3A_448 : memref<80xi32, #tpu.memory_space<vmem>>) semaphore(%arg17 : memref<!tpu.dma_semaphore, #tpu.memory_space<semaphore_mem>>)
      %dma_wait3A_452 = arith.constant 0 : i32
      %dma_wait3A_453 = tpu.memref_slice %arg5[%dma_wait3A_452] : memref<25600xi32, #tpu.memory_space<vmem>> -> memref<80xi32, #tpu.memory_space<vmem>>
      %dma_wait3A_454 = arith.constant 0 : i32
      %dma_wait3A_455 = arith.constant 0 : i32
      %dma_wait3A_456 = tpu.memref_slice %arg14[%dma_wait3A_454, %dma_wait3A_455] : memref<119x128xf32, #tpu.memory_space<vmem_shared>> -> memref<119x128xf32, #tpu.memory_space<vmem_shared>>
      tpu.wait_indirect_dma semaphore(%arg19 : memref<!tpu.dma_semaphore, #tpu.memory_space<semaphore_mem>>) src(%dma_wait3A_456 : memref<119x128xf32, #tpu.memory_space<vmem_shared>>) dst(%arg10 : memref<80x128xf32, #tpu.memory_space<vmem>>)
      %add3A_457 = arith.constant 4 : i32
      %add3A_458 = arith.addi %mul3A_332, %add3A_457 : i32
      %mul3A_459 = arith.constant 80 : i32
      %mul3A_460 = arith.muli %add3A_458, %mul3A_459 : i32
      %add3A_461 = arith.addi %mul3A_2, %mul3A_460 : i32
      %dma_start3A_462 = arith.constant 0 : i32
      %dma_start3A_463 = tpu.memref_slice %arg4[%add3A_461, %dma_start3A_462] : memref<819200x128xf32, #tpu.memory_space<hbm>> -> memref<80x128xf32, #tpu.memory_space<hbm>>
      %dma_start3A_464 = arith.constant 0 : i32
      %dma_start3A_465 = tpu.memref_slice %arg4[%add3A_461, %dma_start3A_464] : memref<819200x128xf32, #tpu.memory_space<hbm>> -> memref<80x128xf32, #tpu.memory_space<hbm>>
      tpu.enqueue_dma source(%arg10 : memref<80x128xf32, #tpu.memory_space<vmem>>) target(%dma_start3A_465 : memref<80x128xf32, #tpu.memory_space<hbm>>) target_semaphore(%arg27 : memref<!tpu.dma_semaphore, #tpu.memory_space<semaphore_mem>>)
      %dma_wait3A_466 = arith.constant 0 : i32
      %dma_wait3A_467 = tpu.memref_slice %arg4[%mul3A_2, %dma_wait3A_466] : memref<819200x128xf32, #tpu.memory_space<hbm>> -> memref<80x128xf32, #tpu.memory_space<hbm>>
      %dma_wait3A_468 = arith.constant 0 : i32
      %dma_wait3A_469 = tpu.memref_slice %arg4[%mul3A_2, %dma_wait3A_468] : memref<819200x128xf32, #tpu.memory_space<hbm>> -> memref<80x128xf32, #tpu.memory_space<hbm>>
      tpu.wait_dma2 semaphore(%arg26 : memref<!tpu.dma_semaphore, #tpu.memory_space<semaphore_mem>>) src(%arg9 : memref<80x128xf32, #tpu.memory_space<vmem>>) dst(%dma_wait3A_469 : memref<80x128xf32, #tpu.memory_space<hbm>>)
      %add3A_470 = arith.constant 4 : i32
      %add3A_471 = arith.addi %mul3A_332, %add3A_470 : i32
      %add3A_472 = arith.constant 8 : i32
      %add3A_473 = arith.addi %add3A_471, %add3A_472 : i32
      %sub3A_474 = arith.constant 1 : i32
      %sub3A_475 = arith.subi %add3A_473, %sub3A_474 : i32
      %mul3A_476 = arith.constant 80 : i32
      %mul3A_477 = arith.muli %sub3A_475, %mul3A_476 : i32
      %dma_start3A_478 = tpu.memref_slice %arg5[%mul3A_477] : memref<25600xi32, #tpu.memory_space<vmem>> -> memref<80xi32, #tpu.memory_space<vmem>>
      %dma_start3A_479 = arith.constant 0 : i32
      %dma_start3A_480 = arith.constant 0 : i32
      %dma_start3A_481 = tpu.memref_slice %arg14[%dma_start3A_479, %dma_start3A_480] : memref<119x128xf32, #tpu.memory_space<vmem_shared>> -> memref<119x128xf32, #tpu.memory_space<vmem_shared>>
      tpu.enqueue_indirect_dma source(%dma_start3A_481 : memref<119x128xf32, #tpu.memory_space<vmem_shared>>) target(%arg9 : memref<80x128xf32, #tpu.memory_space<vmem>>) offsets(%dma_start3A_478 : memref<80xi32, #tpu.memory_space<vmem>>) semaphore(%arg18 : memref<!tpu.dma_semaphore, #tpu.memory_space<semaphore_mem>>)
      %dma_wait3A_482 = arith.constant 0 : i32
      %dma_wait3A_483 = tpu.memref_slice %arg5[%dma_wait3A_482] : memref<25600xi32, #tpu.memory_space<vmem>> -> memref<80xi32, #tpu.memory_space<vmem>>
      %dma_wait3A_484 = arith.constant 0 : i32
      %dma_wait3A_485 = arith.constant 0 : i32
      %dma_wait3A_486 = tpu.memref_slice %arg14[%dma_wait3A_484, %dma_wait3A_485] : memref<119x128xf32, #tpu.memory_space<vmem_shared>> -> memref<119x128xf32, #tpu.memory_space<vmem_shared>>
      tpu.wait_indirect_dma semaphore(%arg20 : memref<!tpu.dma_semaphore, #tpu.memory_space<semaphore_mem>>) src(%dma_wait3A_486 : memref<119x128xf32, #tpu.memory_space<vmem_shared>>) dst(%arg11 : memref<80x128xf32, #tpu.memory_space<vmem>>)
      %add3A_487 = arith.constant 5 : i32
      %add3A_488 = arith.addi %mul3A_332, %add3A_487 : i32
      %mul3A_489 = arith.constant 80 : i32
      %mul3A_490 = arith.muli %add3A_488, %mul3A_489 : i32
      %add3A_491 = arith.addi %mul3A_2, %mul3A_490 : i32
      %dma_start3A_492 = arith.constant 0 : i32
      %dma_start3A_493 = tpu.memref_slice %arg4[%add3A_491, %dma_start3A_492] : memref<819200x128xf32, #tpu.memory_space<hbm>> -> memref<80x128xf32, #tpu.memory_space<hbm>>
      %dma_start3A_494 = arith.constant 0 : i32
      %dma_start3A_495 = tpu.memref_slice %arg4[%add3A_491, %dma_start3A_494] : memref<819200x128xf32, #tpu.memory_space<hbm>> -> memref<80x128xf32, #tpu.memory_space<hbm>>
      tpu.enqueue_dma source(%arg11 : memref<80x128xf32, #tpu.memory_space<vmem>>) target(%dma_start3A_495 : memref<80x128xf32, #tpu.memory_space<hbm>>) target_semaphore(%arg28 : memref<!tpu.dma_semaphore, #tpu.memory_space<semaphore_mem>>)
      %dma_wait3A_496 = arith.constant 0 : i32
      %dma_wait3A_497 = tpu.memref_slice %arg4[%mul3A_2, %dma_wait3A_496] : memref<819200x128xf32, #tpu.memory_space<hbm>> -> memref<80x128xf32, #tpu.memory_space<hbm>>
      %dma_wait3A_498 = arith.constant 0 : i32
      %dma_wait3A_499 = tpu.memref_slice %arg4[%mul3A_2, %dma_wait3A_498] : memref<819200x128xf32, #tpu.memory_space<hbm>> -> memref<80x128xf32, #tpu.memory_space<hbm>>
      tpu.wait_dma2 semaphore(%arg27 : memref<!tpu.dma_semaphore, #tpu.memory_space<semaphore_mem>>) src(%arg10 : memref<80x128xf32, #tpu.memory_space<vmem>>) dst(%dma_wait3A_499 : memref<80x128xf32, #tpu.memory_space<hbm>>)
      %add3A_500 = arith.constant 5 : i32
      %add3A_501 = arith.addi %mul3A_332, %add3A_500 : i32
      %add3A_502 = arith.constant 8 : i32
      %add3A_503 = arith.addi %add3A_501, %add3A_502 : i32
      %sub3A_504 = arith.constant 1 : i32
      %sub3A_505 = arith.subi %add3A_503, %sub3A_504 : i32
      %mul3A_506 = arith.constant 80 : i32
      %mul3A_507 = arith.muli %sub3A_505, %mul3A_506 : i32
      %dma_start3A_508 = tpu.memref_slice %arg5[%mul3A_507] : memref<25600xi32, #tpu.memory_space<vmem>> -> memref<80xi32, #tpu.memory_space<vmem>>
      %dma_start3A_509 = arith.constant 0 : i32
      %dma_start3A_510 = arith.constant 0 : i32
      %dma_start3A_511 = tpu.memref_slice %arg14[%dma_start3A_509, %dma_start3A_510] : memref<119x128xf32, #tpu.memory_space<vmem_shared>> -> memref<119x128xf32, #tpu.memory_space<vmem_shared>>
      tpu.enqueue_indirect_dma source(%dma_start3A_511 : memref<119x128xf32, #tpu.memory_space<vmem_shared>>) target(%arg10 : memref<80x128xf32, #tpu.memory_space<vmem>>) offsets(%dma_start3A_508 : memref<80xi32, #tpu.memory_space<vmem>>) semaphore(%arg19 : memref<!tpu.dma_semaphore, #tpu.memory_space<semaphore_mem>>)
      %dma_wait3A_512 = arith.constant 0 : i32
      %dma_wait3A_513 = tpu.memref_slice %arg5[%dma_wait3A_512] : memref<25600xi32, #tpu.memory_space<vmem>> -> memref<80xi32, #tpu.memory_space<vmem>>
      %dma_wait3A_514 = arith.constant 0 : i32
      %dma_wait3A_515 = arith.constant 0 : i32
      %dma_wait3A_516 = tpu.memref_slice %arg14[%dma_wait3A_514, %dma_wait3A_515] : memref<119x128xf32, #tpu.memory_space<vmem_shared>> -> memref<119x128xf32, #tpu.memory_space<vmem_shared>>
      tpu.wait_indirect_dma semaphore(%arg21 : memref<!tpu.dma_semaphore, #tpu.memory_space<semaphore_mem>>) src(%dma_wait3A_516 : memref<119x128xf32, #tpu.memory_space<vmem_shared>>) dst(%arg12 : memref<80x128xf32, #tpu.memory_space<vmem>>)
      %add3A_517 = arith.constant 6 : i32
      %add3A_518 = arith.addi %mul3A_332, %add3A_517 : i32
      %mul3A_519 = arith.constant 80 : i32
      %mul3A_520 = arith.muli %add3A_518, %mul3A_519 : i32
      %add3A_521 = arith.addi %mul3A_2, %mul3A_520 : i32
      %dma_start3A_522 = arith.constant 0 : i32
      %dma_start3A_523 = tpu.memref_slice %arg4[%add3A_521, %dma_start3A_522] : memref<819200x128xf32, #tpu.memory_space<hbm>> -> memref<80x128xf32, #tpu.memory_space<hbm>>
      %dma_start3A_524 = arith.constant 0 : i32
      %dma_start3A_525 = tpu.memref_slice %arg4[%add3A_521, %dma_start3A_524] : memref<819200x128xf32, #tpu.memory_space<hbm>> -> memref<80x128xf32, #tpu.memory_space<hbm>>
      tpu.enqueue_dma source(%arg12 : memref<80x128xf32, #tpu.memory_space<vmem>>) target(%dma_start3A_525 : memref<80x128xf32, #tpu.memory_space<hbm>>) target_semaphore(%arg29 : memref<!tpu.dma_semaphore, #tpu.memory_space<semaphore_mem>>)
      %dma_wait3A_526 = arith.constant 0 : i32
      %dma_wait3A_527 = tpu.memref_slice %arg4[%mul3A_2, %dma_wait3A_526] : memref<819200x128xf32, #tpu.memory_space<hbm>> -> memref<80x128xf32, #tpu.memory_space<hbm>>
      %dma_wait3A_528 = arith.constant 0 : i32
      %dma_wait3A_529 = tpu.memref_slice %arg4[%mul3A_2, %dma_wait3A_528] : memref<819200x128xf32, #tpu.memory_space<hbm>> -> memref<80x128xf32, #tpu.memory_space<hbm>>
      tpu.wait_dma2 semaphore(%arg28 : memref<!tpu.dma_semaphore, #tpu.memory_space<semaphore_mem>>) src(%arg11 : memref<80x128xf32, #tpu.memory_space<vmem>>) dst(%dma_wait3A_529 : memref<80x128xf32, #tpu.memory_space<hbm>>)
      %add3A_530 = arith.constant 6 : i32
      %add3A_531 = arith.addi %mul3A_332, %add3A_530 : i32
      %add3A_532 = arith.constant 8 : i32
      %add3A_533 = arith.addi %add3A_531, %add3A_532 : i32
      %sub3A_534 = arith.constant 1 : i32
      %sub3A_535 = arith.subi %add3A_533, %sub3A_534 : i32
      %mul3A_536 = arith.constant 80 : i32
      %mul3A_537 = arith.muli %sub3A_535, %mul3A_536 : i32
      %dma_start3A_538 = tpu.memref_slice %arg5[%mul3A_537] : memref<25600xi32, #tpu.memory_space<vmem>> -> memref<80xi32, #tpu.memory_space<vmem>>
      %dma_start3A_539 = arith.constant 0 : i32
      %dma_start3A_540 = arith.constant 0 : i32
      %dma_start3A_541 = tpu.memref_slice %arg14[%dma_start3A_539, %dma_start3A_540] : memref<119x128xf32, #tpu.memory_space<vmem_shared>> -> memref<119x128xf32, #tpu.memory_space<vmem_shared>>
      tpu.enqueue_indirect_dma source(%dma_start3A_541 : memref<119x128xf32, #tpu.memory_space<vmem_shared>>) target(%arg11 : memref<80x128xf32, #tpu.memory_space<vmem>>) offsets(%dma_start3A_538 : memref<80xi32, #tpu.memory_space<vmem>>) semaphore(%arg20 : memref<!tpu.dma_semaphore, #tpu.memory_space<semaphore_mem>>)
      %dma_wait3A_542 = arith.constant 0 : i32
      %dma_wait3A_543 = tpu.memref_slice %arg5[%dma_wait3A_542] : memref<25600xi32, #tpu.memory_space<vmem>> -> memref<80xi32, #tpu.memory_space<vmem>>
      %dma_wait3A_544 = arith.constant 0 : i32
      %dma_wait3A_545 = arith.constant 0 : i32
      %dma_wait3A_546 = tpu.memref_slice %arg14[%dma_wait3A_544, %dma_wait3A_545] : memref<119x128xf32, #tpu.memory_space<vmem_shared>> -> memref<119x128xf32, #tpu.memory_space<vmem_shared>>
      tpu.wait_indirect_dma semaphore(%arg22 : memref<!tpu.dma_semaphore, #tpu.memory_space<semaphore_mem>>) src(%dma_wait3A_546 : memref<119x128xf32, #tpu.memory_space<vmem_shared>>) dst(%arg13 : memref<80x128xf32, #tpu.memory_space<vmem>>)
      %add3A_547 = arith.constant 7 : i32
      %add3A_548 = arith.addi %mul3A_332, %add3A_547 : i32
      %mul3A_549 = arith.constant 80 : i32
      %mul3A_550 = arith.muli %add3A_548, %mul3A_549 : i32
      %add3A_551 = arith.addi %mul3A_2, %mul3A_550 : i32
      %dma_start3A_552 = arith.constant 0 : i32
      %dma_start3A_553 = tpu.memref_slice %arg4[%add3A_551, %dma_start3A_552] : memref<819200x128xf32, #tpu.memory_space<hbm>> -> memref<80x128xf32, #tpu.memory_space<hbm>>
      %dma_start3A_554 = arith.constant 0 : i32
      %dma_start3A_555 = tpu.memref_slice %arg4[%add3A_551, %dma_start3A_554] : memref<819200x128xf32, #tpu.memory_space<hbm>> -> memref<80x128xf32, #tpu.memory_space<hbm>>
      tpu.enqueue_dma source(%arg13 : memref<80x128xf32, #tpu.memory_space<vmem>>) target(%dma_start3A_555 : memref<80x128xf32, #tpu.memory_space<hbm>>) target_semaphore(%arg30 : memref<!tpu.dma_semaphore, #tpu.memory_space<semaphore_mem>>)
      %dma_wait3A_556 = arith.constant 0 : i32
      %dma_wait3A_557 = tpu.memref_slice %arg4[%mul3A_2, %dma_wait3A_556] : memref<819200x128xf32, #tpu.memory_space<hbm>> -> memref<80x128xf32, #tpu.memory_space<hbm>>
      %dma_wait3A_558 = arith.constant 0 : i32
      %dma_wait3A_559 = tpu.memref_slice %arg4[%mul3A_2, %dma_wait3A_558] : memref<819200x128xf32, #tpu.memory_space<hbm>> -> memref<80x128xf32, #tpu.memory_space<hbm>>
      tpu.wait_dma2 semaphore(%arg29 : memref<!tpu.dma_semaphore, #tpu.memory_space<semaphore_mem>>) src(%arg12 : memref<80x128xf32, #tpu.memory_space<vmem>>) dst(%dma_wait3A_559 : memref<80x128xf32, #tpu.memory_space<hbm>>)
      %add3A_560 = arith.constant 7 : i32
      %add3A_561 = arith.addi %mul3A_332, %add3A_560 : i32
      %add3A_562 = arith.constant 8 : i32
      %add3A_563 = arith.addi %add3A_561, %add3A_562 : i32
      %sub3A_564 = arith.constant 1 : i32
      %sub3A_565 = arith.subi %add3A_563, %sub3A_564 : i32
      %mul3A_566 = arith.constant 80 : i32
      %mul3A_567 = arith.muli %sub3A_565, %mul3A_566 : i32
      %dma_start3A_568 = tpu.memref_slice %arg5[%mul3A_567] : memref<25600xi32, #tpu.memory_space<vmem>> -> memref<80xi32, #tpu.memory_space<vmem>>
      %dma_start3A_569 = arith.constant 0 : i32
      %dma_start3A_570 = arith.constant 0 : i32
      %dma_start3A_571 = tpu.memref_slice %arg14[%dma_start3A_569, %dma_start3A_570] : memref<119x128xf32, #tpu.memory_space<vmem_shared>> -> memref<119x128xf32, #tpu.memory_space<vmem_shared>>
      tpu.enqueue_indirect_dma source(%dma_start3A_571 : memref<119x128xf32, #tpu.memory_space<vmem_shared>>) target(%arg12 : memref<80x128xf32, #tpu.memory_space<vmem>>) offsets(%dma_start3A_568 : memref<80xi32, #tpu.memory_space<vmem>>) semaphore(%arg21 : memref<!tpu.dma_semaphore, #tpu.memory_space<semaphore_mem>>)
      %scan3A_572 = arith.constant 0 : i32
      scf.yield %scan3A_572 : i32
    }
    %scan3A_199 = arith.constant 38 : i32
    %dma_wait3A_200 = arith.constant 0 : i32
    %dma_wait3A_201 = tpu.memref_slice %arg5[%dma_wait3A_200] : memref<25600xi32, #tpu.memory_space<vmem>> -> memref<80xi32, #tpu.memory_space<vmem>>
    %dma_wait3A_202 = arith.constant 0 : i32
    %dma_wait3A_203 = arith.constant 0 : i32
    %dma_wait3A_204 = tpu.memref_slice %arg14[%dma_wait3A_202, %dma_wait3A_203] : memref<119x128xf32, #tpu.memory_space<vmem_shared>> -> memref<119x128xf32, #tpu.memory_space<vmem_shared>>
    tpu.wait_indirect_dma semaphore(%arg15 : memref<!tpu.dma_semaphore, #tpu.memory_space<semaphore_mem>>) src(%dma_wait3A_204 : memref<119x128xf32, #tpu.memory_space<vmem_shared>>) dst(%arg6 : memref<80x128xf32, #tpu.memory_space<vmem>>)
    %add3A_205 = arith.constant 24960 : i32
    %add3A_206 = arith.addi %mul3A_2, %add3A_205 : i32
    %dma_start3A_207 = arith.constant 0 : i32
    %dma_start3A_208 = tpu.memref_slice %arg4[%add3A_206, %dma_start3A_207] : memref<819200x128xf32, #tpu.memory_space<hbm>> -> memref<80x128xf32, #tpu.memory_space<hbm>>
    %dma_start3A_209 = arith.constant 0 : i32
    %dma_start3A_210 = tpu.memref_slice %arg4[%add3A_206, %dma_start3A_209] : memref<819200x128xf32, #tpu.memory_space<hbm>> -> memref<80x128xf32, #tpu.memory_space<hbm>>
    tpu.enqueue_dma source(%arg6 : memref<80x128xf32, #tpu.memory_space<vmem>>) target(%dma_start3A_210 : memref<80x128xf32, #tpu.memory_space<hbm>>) target_semaphore(%arg23 : memref<!tpu.dma_semaphore, #tpu.memory_space<semaphore_mem>>)
    %dma_wait3A_211 = arith.constant 0 : i32
    %dma_wait3A_212 = tpu.memref_slice %arg4[%mul3A_2, %dma_wait3A_211] : memref<819200x128xf32, #tpu.memory_space<hbm>> -> memref<80x128xf32, #tpu.memory_space<hbm>>
    %dma_wait3A_213 = arith.constant 0 : i32
    %dma_wait3A_214 = tpu.memref_slice %arg4[%mul3A_2, %dma_wait3A_213] : memref<819200x128xf32, #tpu.memory_space<hbm>> -> memref<80x128xf32, #tpu.memory_space<hbm>>
    tpu.wait_dma2 semaphore(%arg30 : memref<!tpu.dma_semaphore, #tpu.memory_space<semaphore_mem>>) src(%arg13 : memref<80x128xf32, #tpu.memory_space<vmem>>) dst(%dma_wait3A_214 : memref<80x128xf32, #tpu.memory_space<hbm>>)
    %dma_start3A_215 = arith.constant 25520 : i32
    %dma_start3A_216 = tpu.memref_slice %arg5[%dma_start3A_215] : memref<25600xi32, #tpu.memory_space<vmem>> -> memref<80xi32, #tpu.memory_space<vmem>>
    %dma_start3A_217 = arith.constant 0 : i32
    %dma_start3A_218 = arith.constant 0 : i32
    %dma_start3A_219 = tpu.memref_slice %arg14[%dma_start3A_217, %dma_start3A_218] : memref<119x128xf32, #tpu.memory_space<vmem_shared>> -> memref<119x128xf32, #tpu.memory_space<vmem_shared>>
    tpu.enqueue_indirect_dma source(%dma_start3A_219 : memref<119x128xf32, #tpu.memory_space<vmem_shared>>) target(%arg13 : memref<80x128xf32, #tpu.memory_space<vmem>>) offsets(%dma_start3A_216 : memref<80xi32, #tpu.memory_space<vmem>>) semaphore(%arg22 : memref<!tpu.dma_semaphore, #tpu.memory_space<semaphore_mem>>)
    %dma_wait3A_220 = arith.constant 0 : i32
    %dma_wait3A_221 = tpu.memref_slice %arg5[%dma_wait3A_220] : memref<25600xi32, #tpu.memory_space<vmem>> -> memref<80xi32, #tpu.memory_space<vmem>>
    %dma_wait3A_222 = arith.constant 0 : i32
    %dma_wait3A_223 = arith.constant 0 : i32
    %dma_wait3A_224 = tpu.memref_slice %arg14[%dma_wait3A_222, %dma_wait3A_223] : memref<119x128xf32, #tpu.memory_space<vmem_shared>> -> memref<119x128xf32, #tpu.memory_space<vmem_shared>>
    tpu.wait_indirect_dma semaphore(%arg16 : memref<!tpu.dma_semaphore, #tpu.memory_space<semaphore_mem>>) src(%dma_wait3A_224 : memref<119x128xf32, #tpu.memory_space<vmem_shared>>) dst(%arg7 : memref<80x128xf32, #tpu.memory_space<vmem>>)
    %add3A_225 = arith.constant 25040 : i32
    %add3A_226 = arith.addi %mul3A_2, %add3A_225 : i32
    %dma_start3A_227 = arith.constant 0 : i32
    %dma_start3A_228 = tpu.memref_slice %arg4[%add3A_226, %dma_start3A_227] : memref<819200x128xf32, #tpu.memory_space<hbm>> -> memref<80x128xf32, #tpu.memory_space<hbm>>
    %dma_start3A_229 = arith.constant 0 : i32
    %dma_start3A_230 = tpu.memref_slice %arg4[%add3A_226, %dma_start3A_229] : memref<819200x128xf32, #tpu.memory_space<hbm>> -> memref<80x128xf32, #tpu.memory_space<hbm>>
    tpu.enqueue_dma source(%arg7 : memref<80x128xf32, #tpu.memory_space<vmem>>) target(%dma_start3A_230 : memref<80x128xf32, #tpu.memory_space<hbm>>) target_semaphore(%arg24 : memref<!tpu.dma_semaphore, #tpu.memory_space<semaphore_mem>>)
    %dma_wait3A_231 = arith.constant 0 : i32
    %dma_wait3A_232 = tpu.memref_slice %arg5[%dma_wait3A_231] : memref<25600xi32, #tpu.memory_space<vmem>> -> memref<80xi32, #tpu.memory_space<vmem>>
    %dma_wait3A_233 = arith.constant 0 : i32
    %dma_wait3A_234 = arith.constant 0 : i32
    %dma_wait3A_235 = tpu.memref_slice %arg14[%dma_wait3A_233, %dma_wait3A_234] : memref<119x128xf32, #tpu.memory_space<vmem_shared>> -> memref<119x128xf32, #tpu.memory_space<vmem_shared>>
    tpu.wait_indirect_dma semaphore(%arg17 : memref<!tpu.dma_semaphore, #tpu.memory_space<semaphore_mem>>) src(%dma_wait3A_235 : memref<119x128xf32, #tpu.memory_space<vmem_shared>>) dst(%arg8 : memref<80x128xf32, #tpu.memory_space<vmem>>)
    %add3A_236 = arith.constant 25120 : i32
    %add3A_237 = arith.addi %mul3A_2, %add3A_236 : i32
    %dma_start3A_238 = arith.constant 0 : i32
    %dma_start3A_239 = tpu.memref_slice %arg4[%add3A_237, %dma_start3A_238] : memref<819200x128xf32, #tpu.memory_space<hbm>> -> memref<80x128xf32, #tpu.memory_space<hbm>>
    %dma_start3A_240 = arith.constant 0 : i32
    %dma_start3A_241 = tpu.memref_slice %arg4[%add3A_237, %dma_start3A_240] : memref<819200x128xf32, #tpu.memory_space<hbm>> -> memref<80x128xf32, #tpu.memory_space<hbm>>
    tpu.enqueue_dma source(%arg8 : memref<80x128xf32, #tpu.memory_space<vmem>>) target(%dma_start3A_241 : memref<80x128xf32, #tpu.memory_space<hbm>>) target_semaphore(%arg25 : memref<!tpu.dma_semaphore, #tpu.memory_space<semaphore_mem>>)
    %dma_wait3A_242 = arith.constant 0 : i32
    %dma_wait3A_243 = tpu.memref_slice %arg5[%dma_wait3A_242] : memref<25600xi32, #tpu.memory_space<vmem>> -> memref<80xi32, #tpu.memory_space<vmem>>
    %dma_wait3A_244 = arith.constant 0 : i32
    %dma_wait3A_245 = arith.constant 0 : i32
    %dma_wait3A_246 = tpu.memref_slice %arg14[%dma_wait3A_244, %dma_wait3A_245] : memref<119x128xf32, #tpu.memory_space<vmem_shared>> -> memref<119x128xf32, #tpu.memory_space<vmem_shared>>
    tpu.wait_indirect_dma semaphore(%arg18 : memref<!tpu.dma_semaphore, #tpu.memory_space<semaphore_mem>>) src(%dma_wait3A_246 : memref<119x128xf32, #tpu.memory_space<vmem_shared>>) dst(%arg9 : memref<80x128xf32, #tpu.memory_space<vmem>>)
    %add3A_247 = arith.constant 25200 : i32
    %add3A_248 = arith.addi %mul3A_2, %add3A_247 : i32
    %dma_start3A_249 = arith.constant 0 : i32
    %dma_start3A_250 = tpu.memref_slice %arg4[%add3A_248, %dma_start3A_249] : memref<819200x128xf32, #tpu.memory_space<hbm>> -> memref<80x128xf32, #tpu.memory_space<hbm>>
    %dma_start3A_251 = arith.constant 0 : i32
    %dma_start3A_252 = tpu.memref_slice %arg4[%add3A_248, %dma_start3A_251] : memref<819200x128xf32, #tpu.memory_space<hbm>> -> memref<80x128xf32, #tpu.memory_space<hbm>>
    tpu.enqueue_dma source(%arg9 : memref<80x128xf32, #tpu.memory_space<vmem>>) target(%dma_start3A_252 : memref<80x128xf32, #tpu.memory_space<hbm>>) target_semaphore(%arg26 : memref<!tpu.dma_semaphore, #tpu.memory_space<semaphore_mem>>)
    %dma_wait3A_253 = arith.constant 0 : i32
    %dma_wait3A_254 = tpu.memref_slice %arg5[%dma_wait3A_253] : memref<25600xi32, #tpu.memory_space<vmem>> -> memref<80xi32, #tpu.memory_space<vmem>>
    %dma_wait3A_255 = arith.constant 0 : i32
    %dma_wait3A_256 = arith.constant 0 : i32
    %dma_wait3A_257 = tpu.memref_slice %arg14[%dma_wait3A_255, %dma_wait3A_256] : memref<119x128xf32, #tpu.memory_space<vmem_shared>> -> memref<119x128xf32, #tpu.memory_space<vmem_shared>>
    tpu.wait_indirect_dma semaphore(%arg19 : memref<!tpu.dma_semaphore, #tpu.memory_space<semaphore_mem>>) src(%dma_wait3A_257 : memref<119x128xf32, #tpu.memory_space<vmem_shared>>) dst(%arg10 : memref<80x128xf32, #tpu.memory_space<vmem>>)
    %add3A_258 = arith.constant 25280 : i32
    %add3A_259 = arith.addi %mul3A_2, %add3A_258 : i32
    %dma_start3A_260 = arith.constant 0 : i32
    %dma_start3A_261 = tpu.memref_slice %arg4[%add3A_259, %dma_start3A_260] : memref<819200x128xf32, #tpu.memory_space<hbm>> -> memref<80x128xf32, #tpu.memory_space<hbm>>
    %dma_start3A_262 = arith.constant 0 : i32
    %dma_start3A_263 = tpu.memref_slice %arg4[%add3A_259, %dma_start3A_262] : memref<819200x128xf32, #tpu.memory_space<hbm>> -> memref<80x128xf32, #tpu.memory_space<hbm>>
    tpu.enqueue_dma source(%arg10 : memref<80x128xf32, #tpu.memory_space<vmem>>) target(%dma_start3A_263 : memref<80x128xf32, #tpu.memory_space<hbm>>) target_semaphore(%arg27 : memref<!tpu.dma_semaphore, #tpu.memory_space<semaphore_mem>>)
    %dma_wait3A_264 = arith.constant 0 : i32
    %dma_wait3A_265 = tpu.memref_slice %arg5[%dma_wait3A_264] : memref<25600xi32, #tpu.memory_space<vmem>> -> memref<80xi32, #tpu.memory_space<vmem>>
    %dma_wait3A_266 = arith.constant 0 : i32
    %dma_wait3A_267 = arith.constant 0 : i32
    %dma_wait3A_268 = tpu.memref_slice %arg14[%dma_wait3A_266, %dma_wait3A_267] : memref<119x128xf32, #tpu.memory_space<vmem_shared>> -> memref<119x128xf32, #tpu.memory_space<vmem_shared>>
    tpu.wait_indirect_dma semaphore(%arg20 : memref<!tpu.dma_semaphore, #tpu.memory_space<semaphore_mem>>) src(%dma_wait3A_268 : memref<119x128xf32, #tpu.memory_space<vmem_shared>>) dst(%arg11 : memref<80x128xf32, #tpu.memory_space<vmem>>)
    %add3A_269 = arith.constant 25360 : i32
    %add3A_270 = arith.addi %mul3A_2, %add3A_269 : i32
    %dma_start3A_271 = arith.constant 0 : i32
    %dma_start3A_272 = tpu.memref_slice %arg4[%add3A_270, %dma_start3A_271] : memref<819200x128xf32, #tpu.memory_space<hbm>> -> memref<80x128xf32, #tpu.memory_space<hbm>>
    %dma_start3A_273 = arith.constant 0 : i32
    %dma_start3A_274 = tpu.memref_slice %arg4[%add3A_270, %dma_start3A_273] : memref<819200x128xf32, #tpu.memory_space<hbm>> -> memref<80x128xf32, #tpu.memory_space<hbm>>
    tpu.enqueue_dma source(%arg11 : memref<80x128xf32, #tpu.memory_space<vmem>>) target(%dma_start3A_274 : memref<80x128xf32, #tpu.memory_space<hbm>>) target_semaphore(%arg28 : memref<!tpu.dma_semaphore, #tpu.memory_space<semaphore_mem>>)
    %dma_wait3A_275 = arith.constant 0 : i32
    %dma_wait3A_276 = tpu.memref_slice %arg5[%dma_wait3A_275] : memref<25600xi32, #tpu.memory_space<vmem>> -> memref<80xi32, #tpu.memory_space<vmem>>
    %dma_wait3A_277 = arith.constant 0 : i32
    %dma_wait3A_278 = arith.constant 0 : i32
    %dma_wait3A_279 = tpu.memref_slice %arg14[%dma_wait3A_277, %dma_wait3A_278] : memref<119x128xf32, #tpu.memory_space<vmem_shared>> -> memref<119x128xf32, #tpu.memory_space<vmem_shared>>
    tpu.wait_indirect_dma semaphore(%arg21 : memref<!tpu.dma_semaphore, #tpu.memory_space<semaphore_mem>>) src(%dma_wait3A_279 : memref<119x128xf32, #tpu.memory_space<vmem_shared>>) dst(%arg12 : memref<80x128xf32, #tpu.memory_space<vmem>>)
    %add3A_280 = arith.constant 25440 : i32
    %add3A_281 = arith.addi %mul3A_2, %add3A_280 : i32
    %dma_start3A_282 = arith.constant 0 : i32
    %dma_start3A_283 = tpu.memref_slice %arg4[%add3A_281, %dma_start3A_282] : memref<819200x128xf32, #tpu.memory_space<hbm>> -> memref<80x128xf32, #tpu.memory_space<hbm>>
    %dma_start3A_284 = arith.constant 0 : i32
    %dma_start3A_285 = tpu.memref_slice %arg4[%add3A_281, %dma_start3A_284] : memref<819200x128xf32, #tpu.memory_space<hbm>> -> memref<80x128xf32, #tpu.memory_space<hbm>>
    tpu.enqueue_dma source(%arg12 : memref<80x128xf32, #tpu.memory_space<vmem>>) target(%dma_start3A_285 : memref<80x128xf32, #tpu.memory_space<hbm>>) target_semaphore(%arg29 : memref<!tpu.dma_semaphore, #tpu.memory_space<semaphore_mem>>)
    %dma_wait3A_286 = arith.constant 0 : i32
    %dma_wait3A_287 = tpu.memref_slice %arg5[%dma_wait3A_286] : memref<25600xi32, #tpu.memory_space<vmem>> -> memref<80xi32, #tpu.memory_space<vmem>>
    %dma_wait3A_288 = arith.constant 0 : i32
    %dma_wait3A_289 = arith.constant 0 : i32
    %dma_wait3A_290 = tpu.memref_slice %arg14[%dma_wait3A_288, %dma_wait3A_289] : memref<119x128xf32, #tpu.memory_space<vmem_shared>> -> memref<119x128xf32, #tpu.memory_space<vmem_shared>>
    tpu.wait_indirect_dma semaphore(%arg22 : memref<!tpu.dma_semaphore, #tpu.memory_space<semaphore_mem>>) src(%dma_wait3A_290 : memref<119x128xf32, #tpu.memory_space<vmem_shared>>) dst(%arg13 : memref<80x128xf32, #tpu.memory_space<vmem>>)
    %add3A_291 = arith.constant 25520 : i32
    %add3A_292 = arith.addi %mul3A_2, %add3A_291 : i32
    %dma_start3A_293 = arith.constant 0 : i32
    %dma_start3A_294 = tpu.memref_slice %arg4[%add3A_292, %dma_start3A_293] : memref<819200x128xf32, #tpu.memory_space<hbm>> -> memref<80x128xf32, #tpu.memory_space<hbm>>
    %dma_start3A_295 = arith.constant 0 : i32
    %dma_start3A_296 = tpu.memref_slice %arg4[%add3A_292, %dma_start3A_295] : memref<819200x128xf32, #tpu.memory_space<hbm>> -> memref<80x128xf32, #tpu.memory_space<hbm>>
    tpu.enqueue_dma source(%arg13 : memref<80x128xf32, #tpu.memory_space<vmem>>) target(%dma_start3A_296 : memref<80x128xf32, #tpu.memory_space<hbm>>) target_semaphore(%arg30 : memref<!tpu.dma_semaphore, #tpu.memory_space<semaphore_mem>>)
    %dma_wait3A_297 = arith.constant 0 : i32
    %dma_wait3A_298 = tpu.memref_slice %arg4[%mul3A_2, %dma_wait3A_297] : memref<819200x128xf32, #tpu.memory_space<hbm>> -> memref<80x128xf32, #tpu.memory_space<hbm>>
    %dma_wait3A_299 = arith.constant 0 : i32
    %dma_wait3A_300 = tpu.memref_slice %arg4[%mul3A_2, %dma_wait3A_299] : memref<819200x128xf32, #tpu.memory_space<hbm>> -> memref<80x128xf32, #tpu.memory_space<hbm>>
    tpu.wait_dma2 semaphore(%arg23 : memref<!tpu.dma_semaphore, #tpu.memory_space<semaphore_mem>>) src(%arg6 : memref<80x128xf32, #tpu.memory_space<vmem>>) dst(%dma_wait3A_300 : memref<80x128xf32, #tpu.memory_space<hbm>>)
    %dma_wait3A_301 = arith.constant 0 : i32
    %dma_wait3A_302 = tpu.memref_slice %arg4[%mul3A_2, %dma_wait3A_301] : memref<819200x128xf32, #tpu.memory_space<hbm>> -> memref<80x128xf32, #tpu.memory_space<hbm>>
    %dma_wait3A_303 = arith.constant 0 : i32
    %dma_wait3A_304 = tpu.memref_slice %arg4[%mul3A_2, %dma_wait3A_303] : memref<819200x128xf32, #tpu.memory_space<hbm>> -> memref<80x128xf32, #tpu.memory_space<hbm>>
    tpu.wait_dma2 semaphore(%arg24 : memref<!tpu.dma_semaphore, #tpu.memory_space<semaphore_mem>>) src(%arg7 : memref<80x128xf32, #tpu.memory_space<vmem>>) dst(%dma_wait3A_304 : memref<80x128xf32, #tpu.memory_space<hbm>>)
    %dma_wait3A_305 = arith.constant 0 : i32
    %dma_wait3A_306 = tpu.memref_slice %arg4[%mul3A_2, %dma_wait3A_305] : memref<819200x128xf32, #tpu.memory_space<hbm>> -> memref<80x128xf32, #tpu.memory_space<hbm>>
    %dma_wait3A_307 = arith.constant 0 : i32
    %dma_wait3A_308 = tpu.memref_slice %arg4[%mul3A_2, %dma_wait3A_307] : memref<819200x128xf32, #tpu.memory_space<hbm>> -> memref<80x128xf32, #tpu.memory_space<hbm>>
    tpu.wait_dma2 semaphore(%arg25 : memref<!tpu.dma_semaphore, #tpu.memory_space<semaphore_mem>>) src(%arg8 : memref<80x128xf32, #tpu.memory_space<vmem>>) dst(%dma_wait3A_308 : memref<80x128xf32, #tpu.memory_space<hbm>>)
    %dma_wait3A_309 = arith.constant 0 : i32
    %dma_wait3A_310 = tpu.memref_slice %arg4[%mul3A_2, %dma_wait3A_309] : memref<819200x128xf32, #tpu.memory_space<hbm>> -> memref<80x128xf32, #tpu.memory_space<hbm>>
    %dma_wait3A_311 = arith.constant 0 : i32
    %dma_wait3A_312 = tpu.memref_slice %arg4[%mul3A_2, %dma_wait3A_311] : memref<819200x128xf32, #tpu.memory_space<hbm>> -> memref<80x128xf32, #tpu.memory_space<hbm>>
    tpu.wait_dma2 semaphore(%arg26 : memref<!tpu.dma_semaphore, #tpu.memory_space<semaphore_mem>>) src(%arg9 : memref<80x128xf32, #tpu.memory_space<vmem>>) dst(%dma_wait3A_312 : memref<80x128xf32, #tpu.memory_space<hbm>>)
    %dma_wait3A_313 = arith.constant 0 : i32
    %dma_wait3A_314 = tpu.memref_slice %arg4[%mul3A_2, %dma_wait3A_313] : memref<819200x128xf32, #tpu.memory_space<hbm>> -> memref<80x128xf32, #tpu.memory_space<hbm>>
    %dma_wait3A_315 = arith.constant 0 : i32
    %dma_wait3A_316 = tpu.memref_slice %arg4[%mul3A_2, %dma_wait3A_315] : memref<819200x128xf32, #tpu.memory_space<hbm>> -> memref<80x128xf32, #tpu.memory_space<hbm>>
    tpu.wait_dma2 semaphore(%arg27 : memref<!tpu.dma_semaphore, #tpu.memory_space<semaphore_mem>>) src(%arg10 : memref<80x128xf32, #tpu.memory_space<vmem>>) dst(%dma_wait3A_316 : memref<80x128xf32, #tpu.memory_space<hbm>>)
    %dma_wait3A_317 = arith.constant 0 : i32
    %dma_wait3A_318 = tpu.memref_slice %arg4[%mul3A_2, %dma_wait3A_317] : memref<819200x128xf32, #tpu.memory_space<hbm>> -> memref<80x128xf32, #tpu.memory_space<hbm>>
    %dma_wait3A_319 = arith.constant 0 : i32
    %dma_wait3A_320 = tpu.memref_slice %arg4[%mul3A_2, %dma_wait3A_319] : memref<819200x128xf32, #tpu.memory_space<hbm>> -> memref<80x128xf32, #tpu.memory_space<hbm>>
    tpu.wait_dma2 semaphore(%arg28 : memref<!tpu.dma_semaphore, #tpu.memory_space<semaphore_mem>>) src(%arg11 : memref<80x128xf32, #tpu.memory_space<vmem>>) dst(%dma_wait3A_320 : memref<80x128xf32, #tpu.memory_space<hbm>>)
    %dma_wait3A_321 = arith.constant 0 : i32
    %dma_wait3A_322 = tpu.memref_slice %arg4[%mul3A_2, %dma_wait3A_321] : memref<819200x128xf32, #tpu.memory_space<hbm>> -> memref<80x128xf32, #tpu.memory_space<hbm>>
    %dma_wait3A_323 = arith.constant 0 : i32
    %dma_wait3A_324 = tpu.memref_slice %arg4[%mul3A_2, %dma_wait3A_323] : memref<819200x128xf32, #tpu.memory_space<hbm>> -> memref<80x128xf32, #tpu.memory_space<hbm>>
    tpu.wait_dma2 semaphore(%arg29 : memref<!tpu.dma_semaphore, #tpu.memory_space<semaphore_mem>>) src(%arg12 : memref<80x128xf32, #tpu.memory_space<vmem>>) dst(%dma_wait3A_324 : memref<80x128xf32, #tpu.memory_space<hbm>>)
    %dma_wait3A_325 = arith.constant 0 : i32
    %dma_wait3A_326 = tpu.memref_slice %arg4[%mul3A_2, %dma_wait3A_325] : memref<819200x128xf32, #tpu.memory_space<hbm>> -> memref<80x128xf32, #tpu.memory_space<hbm>>
    %dma_wait3A_327 = arith.constant 0 : i32
    %dma_wait3A_328 = tpu.memref_slice %arg4[%mul3A_2, %dma_wait3A_327] : memref<819200x128xf32, #tpu.memory_space<hbm>> -> memref<80x128xf32, #tpu.memory_space<hbm>>
    tpu.wait_dma2 semaphore(%arg30 : memref<!tpu.dma_semaphore, #tpu.memory_space<semaphore_mem>>) src(%arg13 : memref<80x128xf32, #tpu.memory_space<vmem>>) dst(%dma_wait3A_328 : memref<80x128xf32, #tpu.memory_space<hbm>>)
    return
  }
}

</mosaic_0001>

<sc_bundles>
// kernel: kernel.3.cloned.1.call-start
scs
__scs_entry_jumppad:
0x0: {  	(pc) =	sbr.rel $0x88, $3  }
0x1: {  	(tag) =	ssettag $0x0;
	lr =	simm.s32 $0x1  }
0x2: {  	[smem:$0x3F9F] =	sst lr;
	_ =	strace $0xD0000000  }
0x3: {  	_ = 	snop  }
0x4: {  	_ = 	snop  }
0x5: {  	_ = 	snop  }
0x6: {  	_ = 	snop  }
0x7: {  	_ = 	snop  }
__scs_overlays_trampoline_lowered:
0x8: {  	[smem:$0x3FAE] =	sst s0  }
0x9: {  	[smem:$0x3FAF] =	sst s1  }
0xa: {  	[smem:$0x3FB0] =	sst s2  }
0xb: {  	[smem:$0x3FB1] =	sst s3  }
0xc: {  	[smem:$0x3FB2] =	sst s4  }
0xd: {  	[smem:$0x3FB3] =	sst s5  }
0xe: {  	[smem:$0x3FB4] =	sst s6  }
0xf: {  	[smem:$0x3FB5] =	sst s7  }
0x10: {  	[smem:$0x3FB6] =	sst s8  }
0x11: {  	[smem:$0x3FB7] =	sst s9;
	s0 =	simm.s32 @!p0 $0x0  }
0x12: {  	s1 =	sld [smem:$0x3F9D];
	s0 =	simm.s32 @p0 $0x1  }
0x13: {  	[smem:$0x3FB8] =	sst s0;
	s0 =	simm.s32 @!p1 $0x0  }
0x14: {  	s2 =	sld [smem:$0x3F9C];
	s0 =	simm.s32 @p1 $0x1  }
0x15: {  	[smem:$0x3FB9] =	sst s0;
	s0 =	simm.s32 @!p2 $0x0  }
0x16: {  	s3 =	sld [smem:$0x3FDB];
	s0 =	simm.s32 @p2 $0x1  }
0x17: {  	s4 =	simm.s32 $0x1BF5;
	[smem:$0x3FBB] =	sst s0  }
0x18: {  	s0 =	sld [smem:$0x3F9E];
	_ =	swait.ge [sflag:s4], $0x0  }
0x19: {  	s7 =	sld [smem:$0x3F9F]  }
0x1a: {  	s8 =	sadd.s32 $0xFFFFE003, lr  }
0x1b: {  	s9 =	sadd.s32 $0xFFFFFEF7, lr;
	s5 =	simm.s32 $0xFFFFFFFF;
	p2 =	slt.u32 s8, $0xFFFFF086  }
0x1c: {  	p1 =	slt.u32 s9, $0xF7A;
	s5 =	simm.s32 @!p2 $0x0  }
0x1d: {  	s5 =	simm.s32 @p1 $0x1;
	p0 =	seq.s32 s7, s2  }
0x1e: {  	s7 =	smul.u32 @!p0 $0xF7A, s2;
	p2 =	seq.s32 @!p0 s5, $0x0  }
0x1f: {  	s9 =	smul.u32 $0xF7A, s1;
	s8 =	simm.s32 @!p0 $0x1BF5;
	p2 =	por !p2, p0  }
0x20: {  	[sflag:s8] =	ssyncset.s32 @!p0 $0xFFFFF086;
	s6 =	sadd.s32 @!p0 s3, s7;
	s7 =	simm.s32 @!p0 $0x108  }
0x21: {  	s3 =	sadd.s32 s3, s9;
	s6 =	sadd.s32 @!p0 $0x88, s6;
	s7 =	simm.s32 @p2 $0x1082  }
0x22: {  	[simem:s7], [sflag:s8] =	dma.local @!p0 [hbm:s6], $0xF7A  }
0x23: {  	s9 =	sor.u32 $0xD0000000, s2;
	s6 =	simm.s32 $0x108;
	_ =	swait.ge @!p0 [sflag:s8], $0x0  }
0x24: {  	s3 =	sadd.s32 $0x88, s3;
	s6 =	simm.s32 @!p1 $0x1082;
	[sflag:s4] =	ssyncset.s32 $0xFFFFF086  }
0x25: {  	[simem:s6], [sflag:s4] =	dma.local [hbm:s3], $0xF7A  }
0x26: {  	[smem:$0x3F9F] =	sst s1;
	(tag) =	ssettag s2;
	_ =	strace s9  }
0x27: {  	s1 =	sld [smem:$0x3FAF]  }
0x28: {  	s2 =	sld [smem:$0x3FB0]  }
0x29: {  	s4 =	sld [smem:$0x3FB2]  }
0x2a: {  	p0 =	seq.s32 s5, $0x0;
	s5 =	sld [smem:$0x3FB3]  }
0x2b: {  	s6 =	sld [smem:$0x3FB4]  }
0x2c: {  	s7 =	sld [smem:$0x3FB5]  }
0x2d: {  	s3 =	simm.s32 $0x108;
	s8 =	sld [smem:$0x3FB6]  }
0x2e: {  	s3 =	simm.s32 @!p0 $0x1082;
	s9 =	sld [smem:$0x3FB7]  }
0x2f: {  	lr =	sadd.s32 s0, s3;
	s0 =	sld [smem:$0x3FAE]  }
0x30: {  	s3 =	sld [smem:$0x3FB1]  }
0x31: {  	[smem:$0x3FBA] =	sst s10  }
0x32: {  	s10 =	sld [smem:$0x3FB8];
	_ =	sdelay $0x3  }
0x33: {  	p0 =	seq.s32 s10, $0x1;
	s10 =	sld [smem:$0x3FBA];
	_ =	sdelay $0x3  }
0x34: {  	[smem:$0x3FBA] =	sst s10  }
0x35: {  	s10 =	sld [smem:$0x3FB9];
	_ =	sdelay $0x3  }
0x36: {  	p1 =	seq.s32 s10, $0x1;
	s10 =	sld [smem:$0x3FBA];
	_ =	sdelay $0x3  }
0x37: {  	[smem:$0x3FBA] =	sst s10  }
0x38: {  	s10 =	sld [smem:$0x3FBB]  }
0x39: {  	_ = 	snop;
	(pc) =	sbr.ind lr, $3  }
0x3a: {  	_ = 	snop  }
0x3b: {  	_ = 	snop  }
0x3c: {  	p2 =	seq.s32 s10, $0x1;
	s10 =	sld [smem:$0x3FBA]  }
0x3d: {  	_ =	shalt  }
0x3e: {  	_ =	shalt  }
0x3f: {  	_ =	shalt  }
0x40: {  	_ =	shalt  }
0x41: {  	_ =	shalt  }
0x42: {  	_ =	shalt  }
0x43: {  	_ =	shalt  }
0x44: {  	_ =	shalt  }
0x45: {  	_ =	shalt  }
0x46: {  	_ =	shalt  }
0x47: {  	_ =	shalt  }
0x48: {  	_ =	shalt  }
0x49: {  	_ =	shalt  }
0x4a: {  	_ =	shalt  }
0x4b: {  	_ =	shalt  }
0x4c: {  	_ =	shalt  }
0x4d: {  	_ =	shalt  }
0x4e: {  	_ =	shalt  }
0x4f: {  	_ =	shalt  }
0x50: {  	_ =	shalt  }
0x51: {  	_ =	shalt  }
0x52: {  	_ =	shalt  }
0x53: {  	_ =	shalt  }
0x54: {  	_ =	shalt  }
0x55: {  	_ =	shalt  }
0x56: {  	_ =	shalt  }
0x57: {  	_ =	shalt  }
0x58: {  	_ =	shalt  }
0x59: {  	_ =	shalt  }
0x5a: {  	_ =	shalt  }
0x5b: {  	_ =	shalt  }
0x5c: {  	_ =	shalt  }
0x5d: {  	_ =	shalt  }
0x5e: {  	_ =	shalt  }
0x5f: {  	_ =	shalt  }
0x60: {  	_ =	shalt  }
0x61: {  	_ =	shalt  }
0x62: {  	_ =	shalt  }
0x63: {  	_ =	shalt  }
0x64: {  	_ =	shalt  }
0x65: {  	_ =	shalt  }
0x66: {  	_ =	shalt  }
0x67: {  	_ =	shalt  }
0x68: {  	_ =	shalt  }
0x69: {  	_ =	shalt  }
0x6a: {  	_ =	shalt  }
0x6b: {  	_ =	shalt  }
0x6c: {  	_ =	shalt  }
0x6d: {  	_ =	shalt  }
0x6e: {  	_ =	shalt  }
0x6f: {  	_ =	shalt  }
0x70: {  	_ =	shalt  }
0x71: {  	_ =	shalt  }
0x72: {  	_ =	shalt  }
0x73: {  	_ =	shalt  }
0x74: {  	_ =	shalt  }
0x75: {  	_ =	shalt  }
0x76: {  	_ =	shalt  }
0x77: {  	_ =	shalt  }
0x78: {  	_ =	shalt  }
0x79: {  	_ =	shalt  }
0x7a: {  	_ =	shalt  }
0x7b: {  	_ =	shalt  }
0x7c: {  	_ =	shalt  }
0x7d: {  	_ =	shalt  }
0x7e: {  	_ =	shalt  }
0x7f: {  	_ =	shalt  }
0x80: {  	_ =	shalt  }
0x81: {  	_ =	shalt  }
0x82: {  	_ =	shalt  }
0x83: {  	_ =	shalt  }
0x84: {  	_ =	shalt  }
0x85: {  	_ =	shalt  }
0x86: {  	_ =	shalt  }
0x87: {  	_ =	shalt  }
.Lfunc_end0:
.L_simem_size_0:
called_computation_lowered:
.L_overlay_start_0:
0x88: {  	s2 =	sld [smem:$0x3FD9]  }
0x89: {  	s3 =	sld [smem:$0x3FFE];
	_ =	sdelay $0x1  }
0x8a: {  	s1 =	srdreg.scid  }
0x8b: {  	s0 =	sand.u32 $0x1, s1  }
0x8c: {  	s17 =	sshll.u32 s0, $0xA;
	s2 =	sadd.s32 s3, s2  }
0x8d: {  	s2 =	sadd.s32 s2, s17  }
0x8e: {  	[smem:$0x3FC6] =	sst s2  }
0x8f: {  	_ = 	snop  }
0x90: {  	s2 =	sld [smem:$0x3FC8]  }
0x91: {  	s18 =	sld [smem:$0x3FD0];
	(tm) =	ssettm $0x1  }
0x92: {  	s4 =	sld [smem:$0x3FFB];
	_ =	sdelay $0x3  }
0x93: {  	_ =	strace s4  }
0x94: {  	s4 =	sld [smem:$0x3FFC];
	_ =	sdelay $0x3  }
0x95: {  	_ =	strace s4  }
0x96: {  	s4 =	sld [smem:$0x3FFD];
	_ =	sdelay $0x3  }
0x97: {  	_ =	strace s4  }
0x98: {  	_ =	strace $0x8FFFFFFF  }
0x99: {  	s19 =	sld [smem:$0x3FDB];
	_ =	sdelay $0x1  }
0x9a: {  	s5 =	simm.s32 $_scs_section_size  }
0x9b: {  	s6 =	simm.s32 $_size__tile_overlayer_lowered;
	s7 =	simm.s32 $_tile_overlayer_lowered  }
0x9c: {  	s22 =	simm.s32 $0x1BFF;
	s21 =	sshll.u32 s7, $0x1;
	s4 =	sadd.s32 s5, s19  }
0x9d: {  	s8 =	simm.s32 $0x0;
	s20 =	sshll.u32 s6, $0x1;
	s6 =	sadd.s32 s21, s4  }
0x9e: {  	[timem:s8], [sflag:s22] =	dma.local [hbm:s6], s20  }
0x9f: {  	_ =	swait.ge [sflag:s22], s20  }
0xa0: {  	s5 =	ssub.s32 $0x0, s20;
	[sflag:s22] =	ssyncset.done $0x0  }
0xa1: {  	[sflag:s22] =	ssyncadd.s32 s5;
	_ =	sdelay $0x1  }
0xa2: {  	s23 =	simm.s32 $0x1B8B  }
0xa3: {  	_ =	swait.ge [sflag:s23], $0x1  }
0xa4: {  	[sflag:s23] =	ssyncset.done $0x0  }
0xa5: {  	s25 =	simm.s32 $0x1B8E;
	s24 =	sld [smem:$0x3FFE];
	[sflag:s23] =	ssyncadd.s32 $0xFFFFFFFF  }
0xa6: {  	s26 =	simm.s32 $execute0_lowered;
	[smem:$0x3FD2] =	sst s25  }
0xa7: {  	s6 =	sshll.u32 s26, $0x1;
	_ =	strace $0x80000046;
	[dreg:$0x1] =	wrdreg $0xFFFFFFFF  }
0xa8: {  	s28 =	simm.s32 $_size_execute0_lowered;
	s4 =	sadd.s32 s4, s6;
	[dreg:$0x0] =	wrdreg $0x0  }
0xa9: {  	s6 =	sshll.u32 s28, $0x1;
	[dreg:$0x2] =	wrdreg s4  }
0xaa: {  	[dreg:$0x3] =	wrdreg s6  }
0xab: {  	[dreg:$0x4] =	wrdreg $0xC0  }
0xac: {  	_ =	task [dreg:s8], $0x5FFFF  }
0xad: {  	[dreg:$0x1] =	wrdreg $0xFFFFFFFF  }
0xae: {  	[dreg:$0x0] =	wrdreg $0x60  }
0xaf: {  	[dreg:$0x2] =	wrdreg s2  }
0xb0: {  	[dreg:$0x3] =	wrdreg s24  }
0xb1: {  	[dreg:$0x4] =	wrdreg s18  }
0xb2: {  	[dreg:$0x5] =	wrdreg $0x1A4000  }
0xb3: {  	[dreg:$0x6] =	wrdreg $0x9  }
0xb4: {  	_ =	task.clear_ibuf [dreg:s8], $0x7FFFF;
	_ =	strace $0x90000046  }
0xb5: {  	s29 =	simm.s32 $0x9;
	_ =	strace $0x80000048  }
0xb6: {  	_ =	swait.ge [sflag:s29], $0x1  }
0xb7: {  	[sflag:s29] =	ssyncadd.s32 $0xFFFFFFFF  }
0xb8: {  	_ =	strace $0x90000048  }
0xb9: {  	_ =	sfence  }
0xba: {  	s30 =	sld [smem:$0x0];
	_ =	sdelay $0x2  }
0xbb: {  	s31 =	sshll.u32 s1, $0xD;
	s1 =	sshrl.u32 s1, $0x2  }
0xbc: {  	s3 =	sand.u32 $0x4000, s31;
	s1 =	sadd.s32 s1, s30  }
0xbd: {  	s0 =	sor.u32 s3, s0;
	s1 =	sshll.u32 s1, $0x11  }
0xbe: {  	s0 =	sor.u32 s1, s0  }
0xbf: {  	s0 =	sadd.s32 $0x8F2B, s0  }
0xc0: {  	[sflag:s0] =	ssyncadd.remote.s32 $0x1  }
0xc1: {  	_ =	sfence.sel $0xFFFF  }
0xc2: {  	[dreg:$0x0] =	wrdreg $0xFFFFFFFF;
	(pc) =	sbr.abs _section_cstart, $3  }
0xc3: {  	[dreg:$0x1] =	wrdreg $0xFFFFFFFF  }
0xc4: {  	_ =	task.clear_ibuf [dreg:s8], $0x2FFFF;
	_ =	strace $0x9FFFFFFF  }
0xc5: {  	(tm) =	ssettm $0x7FFFFFFF  }
tec
execute0_lowered:
.L_overlay_start_1:
0x0: {  	(tag) =	ssettag $0x1  }
0x1: {  	s0 =	rddreg [dreg:$0x1]  }
0x2: {  	s1 =	srdreg.scid;
	s5 =	rddreg [dreg:$0x2]  }
0x3: {  	s4 =	stileid.u32;
	s2 =	rddreg [dreg:$0x3]  }
0x4: {  	s28 =	simm.s32 $0x8C00;
	s30 =	simm.s32 $0xB400;
	s29 =	simm.s32 $0x10400  }
0x5: {  	s1 =	sand.u32 $0x1, s1;
	s3 =	sshll.u32 s4, $0x1;
	s19 =	smul.u32 $0xC8000, s4  }
0x6: {  	s6 =	sor.u32 s1, s3;
	s8 =	ssub.s32 $0x2, s1;
	s1 =	smul.u32 $0x64000, s1  }
0x7: {  	s31 =	simm.s32 $0x15400;
	p0 =	sne.s32 s4, $0x0;
	s10 =	smul.u32 $0x64000, s6  }
0x8: {  	s4 =	simm.s32 $0x1;
	s3 =	simm.s32 $0x0;
	s7 =	smul.u32 $0x6400, s6  }
0x9: {  	[smem:$0x7FF] =	sst s3;
	s9 =	sshrl.u32 s8, $0x1;
	s26 =	sadd.s32 s5, s10  }
0xa: {  	_ =	strace $0x80000047;
	s10 =	sadd.s32 $0x500, s26;
	[dreg:$0x6] =	wrdreg s26  }
0xb: {  	s7 =	sshrl.u32 s7, $0x3;
	s11 =	sadd.s32 $0xA00, s26;
	[dreg:$0x7] =	wrdreg s10  }
0xc: {  	s0 =	sadd.s32 s7, s0;
	s12 =	sadd.s32 $0xF00, s26;
	[dreg:$0x8] =	wrdreg s11  }
0xd: {  	s7 =	ssub.s32 s8, s9;
	s13 =	sadd.s32 $0x1400, s26;
	[dreg:$0x9] =	wrdreg s12  }
0xe: {  	s9 =	smul.u32 $0x320000, s6;
	s14 =	sadd.s32 $0x1900, s26;
	[dreg:$0xa] =	wrdreg s13  }
0xf: {  	s15 =	sadd.s32 $0x1E00, s26;
	s16 =	sadd.s32 $0x2300, s26;
	[dreg:$0xb] =	wrdreg s14  }
0x10: {  	s6 =	simm.s32 $0x17C00;
	s8 =	simm.s32 $0x9;
	[dreg:$0xc] =	wrdreg s15  }
0x11: {  	s0 =	sadd.s32 $0x400, s0;
	[dreg:$0xd] =	wrdreg s16;
	s26 =	smax.u32 s7, $0x1  }
0x12: {  	s7 =	simm.s32 $0x2;
	s10 =	simm.s32 $0xA;
	s11 =	simm.s32 $0x4  }
0x13: {  	s12 =	simm.s32 $0xB;
	[dreg:$0x5] =	wrdreg s0;
	s0 =	sshrl.u32 s9, $0x3  }
0x14: {  	s13 =	simm.s32 $0x5;
	s14 =	simm.s32 $0xC;
	s0 =	sadd.s32 s5, s0  }
0x15: {  	s15 =	simm.s32 $0x6;
	[dreg:$0x16] =	wrdreg s26;
	s17 =	sadd.s32 $0x61800, s0  }
0x16: {  	s16 =	simm.s32 $0xD;
	s18 =	sadd.s32 $0x61D00, s0;
	[dreg:$0xe] =	wrdreg s17  }
0x17: {  	s26 =	simm.s32 $0x6400;
	s20 =	sadd.s32 $0x62200, s0;
	[dreg:$0xf] =	wrdreg s18  }
0x18: {  	s9 =	simm.s32 $0x3;
	s21 =	sadd.s32 $0x62700, s0;
	[dreg:$0x10] =	wrdreg s20  }
0x19: {  	s5 =	sadd.s32 s19, s5;
	s22 =	sadd.s32 $0x62C00, s0;
	[dreg:$0x11] =	wrdreg s21  }
0x1a: {  	s19 =	simm.s32 $0x8;
	s23 =	sadd.s32 $0x63100, s0;
	[dreg:$0x12] =	wrdreg s22  }
0x1b: {  	s24 =	sadd.s32 $0x63600, s0;
	s0 =	sadd.s32 $0x63B00, s0;
	[dreg:$0x13] =	wrdreg s23  }
0x1c: {  	s25 =	sadd.s32 s1, s5;
	s1 =	simm.s32 $0xDC00;
	[dreg:$0x14] =	wrdreg s24  }
0x1d: {  	[dreg:$0x15] =	wrdreg s0;
	s0 =	sadd.s32 $0x4B00, s25;
	s25 =	simm.s32 $0x50  }
0x1e: {  	s17 =	simm.s32 $0x7;
	s18 =	simm.s32 $0xE;
	s20 =	simm.s32 $0xF  }
0x1f: {  	s21 =	simm.s32 $0x10;
	[dreg:$0x17] =	wrdreg s0;
	s0 =	sshrl.u32 @!p0 s2, $0x3  }
0x20: {  	s22 =	simm.s32 $0x0;
	[dreg:$0x18] =	wrdreg s0;
	s0 =	simm.s32 $0x12C00  }
.LBB2_1:
0x21: {  	[dreg:$0x19] =	wrdreg s22  }
0x22: {  	s22 =	rddreg [dreg:$0x0]  }
0x23: {  	s5 =	simm.s32 @!p0 $0x1C11;
	s23 =	rddreg [dreg:$0x18]  }
0x24: {  	[spmem:s23], [sflag:s5] =	dma.local @!p0 [hbm:s22], $0x770  }
0x25: {  	s5 =	simm.s32 @!p0 $0x11  }
0x26: {  	_ =	swait.ge @!p0 [sflag:s5], $0x770  }
0x27: {  	[sflag:s5] =	ssyncset.done @!p0 $0x0  }
0x28: {  	s22 =	simm.s32 $0x11;
	s24 =	rddreg [dreg:$0x5];
	[sflag:s5] =	ssyncadd.s32 @!p0 $0xFFFFF890  }
0x29: {  	[tilespmem:s3], [sflag:$0x11] =	stream.linear.gather [hbm4b:s24+s3], $0x6400, $0x38;
	[tilespmem:$0x1A7B8] =	vst v63  }
0x2a: {  	_ =	swait.ge [sflag:s22], $0x6400  }
0x2b: {  	[sflag:s22] =	ssyncset.done $0x0  }
0x2c: {  	[sflag:s22] =	ssyncadd.s32 $0xFFFF9C00  }
0x2d: {  	[bflag:$0x0] =	sbarrier.arrive $0xFFFF  }
0x2e: {  	[tilespmem:s26], [sflag:$0x1] =	stream.indirect.gather [spmem:s2], $0x80, s3, s25, $0xb8;
	[tilespmem:$0x1A7B8] =	vst v63  }
0x2f: {  	_ = 	snop  }
0x30: {  	[tilespmem:s28], [sflag:$0x2] =	stream.indirect.gather [spmem:s2], $0x80, s25, s25, $0xb8;
	[tilespmem:$0x1A7B8] =	vst v63  }
0x31: {  	s23 =	simm.s32 $0xA0  }
0x32: {  	[tilespmem:s30], [sflag:$0x3] =	stream.indirect.gather [spmem:s2], $0x80, s23, s25, $0xb8;
	[tilespmem:$0x1A7B8] =	vst v63  }
0x33: {  	s24 =	simm.s32 $0xF0  }
0x34: {  	[tilespmem:s1], [sflag:$0x4] =	stream.indirect.gather [spmem:s2], $0x80, s24, s25, $0xb8;
	[tilespmem:$0x1A7B8] =	vst v63  }
0x35: {  	s22 =	simm.s32 $0x140  }
0x36: {  	[tilespmem:s29], [sflag:$0x5] =	stream.indirect.gather [spmem:s2], $0x80, s22, s25, $0xb8;
	[tilespmem:$0x1A7B8] =	vst v63  }
0x37: {  	s23 =	simm.s32 $0x190  }
0x38: {  	[tilespmem:s0], [sflag:$0x6] =	stream.indirect.gather [spmem:s2], $0x80, s23, s25, $0xb8;
	[tilespmem:$0x1A7B8] =	vst v63  }
0x39: {  	s24 =	simm.s32 $0x1E0  }
0x3a: {  	[tilespmem:s31], [sflag:$0x7] =	stream.indirect.gather [spmem:s2], $0x80, s24, s25, $0xb8;
	[tilespmem:$0x1A7B8] =	vst v63  }
0x3b: {  	_ =	swait.ge [sflag:s4], $0x2800  }
0x3c: {  	[sflag:s4] =	ssyncset.done $0x0  }
0x3d: {  	s22 =	rddreg [dreg:$0x6];
	[sflag:s4] =	ssyncadd.s32 $0xFFFFD800  }
0x3e: {  	[hbm4b:s22+s3] =	stream.linear.scatter [tilespmem:s26], [sflag:$0x9], $0x2800, $0x38;
	[tilespmem:$0x1A7B8] =	vst v63  }
0x3f: {  	s23 =	simm.s32 $0x230  }
0x40: {  	[tilespmem:s6], [sflag:$0x8] =	stream.indirect.gather [spmem:s2], $0x80, s23, s25, $0xb8;
	[tilespmem:$0x1A7B8] =	vst v63  }
0x41: {  	_ =	swait.ge [sflag:s7], $0x2800  }
0x42: {  	[sflag:s7] =	ssyncset.done $0x0  }
0x43: {  	s24 =	rddreg [dreg:$0x7];
	[sflag:s7] =	ssyncadd.s32 $0xFFFFD800  }
0x44: {  	[hbm4b:s24+s3] =	stream.linear.scatter [tilespmem:s28], [sflag:$0xA], $0x2800, $0x38;
	[tilespmem:$0x1A7B8] =	vst v63  }
0x45: {  	_ =	swait.ge [sflag:s8], $0x2800  }
0x46: {  	[sflag:s8] =	ssyncset.done $0x0  }
0x47: {  	s22 =	simm.s32 $0x280;
	[sflag:s8] =	ssyncadd.s32 $0xFFFFD800  }
0x48: {  	[tilespmem:s26], [sflag:$0x1] =	stream.indirect.gather [spmem:s2], $0x80, s22, s25, $0xb8;
	[tilespmem:$0x1A7B8] =	vst v63  }
0x49: {  	_ =	swait.ge [sflag:s9], $0x2800  }
0x4a: {  	[sflag:s9] =	ssyncset.done $0x0  }
0x4b: {  	s23 =	rddreg [dreg:$0x8];
	[sflag:s9] =	ssyncadd.s32 $0xFFFFD800  }
0x4c: {  	[hbm4b:s23+s3] =	stream.linear.scatter [tilespmem:s30], [sflag:$0xB], $0x2800, $0x38;
	[tilespmem:$0x1A7B8] =	vst v63  }
0x4d: {  	_ =	swait.ge [sflag:s10], $0x2800  }
0x4e: {  	[sflag:s10] =	ssyncset.done $0x0  }
0x4f: {  	s24 =	simm.s32 $0x2D0;
	[sflag:s10] =	ssyncadd.s32 $0xFFFFD800  }
0x50: {  	[tilespmem:s28], [sflag:$0x2] =	stream.indirect.gather [spmem:s2], $0x80, s24, s25, $0xb8;
	[tilespmem:$0x1A7B8] =	vst v63  }
0x51: {  	_ =	swait.ge [sflag:s11], $0x2800  }
0x52: {  	[sflag:s11] =	ssyncset.done $0x0  }
0x53: {  	s22 =	rddreg [dreg:$0x9];
	[sflag:s11] =	ssyncadd.s32 $0xFFFFD800  }
0x54: {  	[hbm4b:s22+s3] =	stream.linear.scatter [tilespmem:s1], [sflag:$0xC], $0x2800, $0x38;
	[tilespmem:$0x1A7B8] =	vst v63  }
0x55: {  	_ =	swait.ge [sflag:s12], $0x2800  }
0x56: {  	[sflag:s12] =	ssyncset.done $0x0  }
0x57: {  	s23 =	simm.s32 $0x320;
	[sflag:s12] =	ssyncadd.s32 $0xFFFFD800  }
0x58: {  	[tilespmem:s30], [sflag:$0x3] =	stream.indirect.gather [spmem:s2], $0x80, s23, s25, $0xb8;
	[tilespmem:$0x1A7B8] =	vst v63  }
0x59: {  	_ =	swait.ge [sflag:s13], $0x2800  }
0x5a: {  	[sflag:s13] =	ssyncset.done $0x0  }
0x5b: {  	s24 =	rddreg [dreg:$0xa];
	[sflag:s13] =	ssyncadd.s32 $0xFFFFD800  }
0x5c: {  	[hbm4b:s24+s3] =	stream.linear.scatter [tilespmem:s29], [sflag:$0xD], $0x2800, $0x38;
	[tilespmem:$0x1A7B8] =	vst v63  }
0x5d: {  	_ =	swait.ge [sflag:s14], $0x2800  }
0x5e: {  	[sflag:s14] =	ssyncset.done $0x0  }
0x5f: {  	s22 =	simm.s32 $0x370;
	[sflag:s14] =	ssyncadd.s32 $0xFFFFD800  }
0x60: {  	[tilespmem:s1], [sflag:$0x4] =	stream.indirect.gather [spmem:s2], $0x80, s22, s25, $0xb8;
	[tilespmem:$0x1A7B8] =	vst v63  }
0x61: {  	_ =	swait.ge [sflag:s15], $0x2800  }
0x62: {  	[sflag:s15] =	ssyncset.done $0x0  }
0x63: {  	s23 =	rddreg [dreg:$0xb];
	[sflag:s15] =	ssyncadd.s32 $0xFFFFD800  }
0x64: {  	[hbm4b:s23+s3] =	stream.linear.scatter [tilespmem:s0], [sflag:$0xE], $0x2800, $0x38;
	[tilespmem:$0x1A7B8] =	vst v63  }
0x65: {  	_ =	swait.ge [sflag:s16], $0x2800  }
0x66: {  	[sflag:s16] =	ssyncset.done $0x0  }
0x67: {  	s24 =	simm.s32 $0x3C0;
	[sflag:s16] =	ssyncadd.s32 $0xFFFFD800  }
0x68: {  	[tilespmem:s29], [sflag:$0x5] =	stream.indirect.gather [spmem:s2], $0x80, s24, s25, $0xb8;
	[tilespmem:$0x1A7B8] =	vst v63  }
0x69: {  	_ =	swait.ge [sflag:s17], $0x2800  }
0x6a: {  	[sflag:s17] =	ssyncset.done $0x0  }
0x6b: {  	s22 =	rddreg [dreg:$0xc];
	[sflag:s17] =	ssyncadd.s32 $0xFFFFD800  }
0x6c: {  	[hbm4b:s22+s3] =	stream.linear.scatter [tilespmem:s31], [sflag:$0xF], $0x2800, $0x38;
	[tilespmem:$0x1A7B8] =	vst v63  }
0x6d: {  	_ =	swait.ge [sflag:s18], $0x2800  }
0x6e: {  	[sflag:s18] =	ssyncset.done $0x0  }
0x6f: {  	s23 =	simm.s32 $0x410;
	[sflag:s18] =	ssyncadd.s32 $0xFFFFD800  }
0x70: {  	[tilespmem:s0], [sflag:$0x6] =	stream.indirect.gather [spmem:s2], $0x80, s23, s25, $0xb8;
	[tilespmem:$0x1A7B8] =	vst v63  }
0x71: {  	_ =	swait.ge [sflag:s19], $0x2800  }
0x72: {  	[sflag:s19] =	ssyncset.done $0x0  }
0x73: {  	s24 =	rddreg [dreg:$0xd];
	[sflag:s19] =	ssyncadd.s32 $0xFFFFD800  }
0x74: {  	[hbm4b:s24+s3] =	stream.linear.scatter [tilespmem:s6], [sflag:$0x10], $0x2800, $0x38;
	[tilespmem:$0x1A7B8] =	vst v63  }
0x75: {  	_ =	swait.ge [sflag:s20], $0x2800  }
0x76: {  	[sflag:s20] =	ssyncset.done $0x0  }
0x77: {  	s22 =	simm.s32 $0x460;
	[sflag:s20] =	ssyncadd.s32 $0xFFFFD800  }
0x78: {  	[tilespmem:s31], [sflag:$0x7] =	stream.indirect.gather [spmem:s2], $0x80, s22, s25, $0xb8;
	[tilespmem:$0x1A7B8] =	vst v63  }
0x79: {  	_ =	swait.ge [sflag:s4], $0x2800  }
0x7a: {  	[sflag:s4] =	ssyncset.done $0x0;
	s22 =	rddreg [dreg:$0x17]  }
0x7b: {  	[sflag:s4] =	ssyncadd.s32 $0xFFFFD800;
	s23 =	sadd.s32 $0xFFFFDD00, s22  }
0x7c: {  	[hbm4b:s23+s3] =	stream.linear.scatter [tilespmem:s26], [sflag:$0x9], $0x2800, $0x38;
	[tilespmem:$0x1A7B8] =	vst v63  }
0x7d: {  	_ =	swait.ge [sflag:s21], $0x2800  }
0x7e: {  	[sflag:s21] =	ssyncset.done $0x0  }
0x7f: {  	s24 =	simm.s32 $0x4B0;
	[sflag:s21] =	ssyncadd.s32 $0xFFFFD800  }
0x80: {  	[tilespmem:s6], [sflag:$0x8] =	stream.indirect.gather [spmem:s2], $0x80, s24, s25, $0xb8;
	[tilespmem:$0x1A7B8] =	vst v63  }
0x81: {  	_ =	swait.ge [sflag:s7], $0x2800  }
0x82: {  	[sflag:s7] =	ssyncset.done $0x0  }
0x83: {  	s23 =	sadd.s32 $0xFFFFE200, s22;
	[sflag:s7] =	ssyncadd.s32 $0xFFFFD800  }
0x84: {  	[hbm4b:s23+s3] =	stream.linear.scatter [tilespmem:s28], [sflag:$0xA], $0x2800, $0x38;
	[tilespmem:$0x1A7B8] =	vst v63  }
0x85: {  	_ =	swait.ge [sflag:s8], $0x2800  }
0x86: {  	[sflag:s8] =	ssyncset.done $0x0  }
0x87: {  	s24 =	simm.s32 $0x500;
	[sflag:s8] =	ssyncadd.s32 $0xFFFFD800  }
0x88: {  	[tilespmem:s26], [sflag:$0x1] =	stream.indirect.gather [spmem:s2], $0x80, s24, s25, $0xb8;
	[tilespmem:$0x1A7B8] =	vst v63  }
0x89: {  	_ =	swait.ge [sflag:s9], $0x2800  }
0x8a: {  	[sflag:s9] =	ssyncset.done $0x0  }
0x8b: {  	s23 =	sadd.s32 $0xFFFFE700, s22;
	[sflag:s9] =	ssyncadd.s32 $0xFFFFD800  }
0x8c: {  	[hbm4b:s23+s3] =	stream.linear.scatter [tilespmem:s30], [sflag:$0xB], $0x2800, $0x38;
	[tilespmem:$0x1A7B8] =	vst v63  }
0x8d: {  	_ =	swait.ge [sflag:s10], $0x2800  }
0x8e: {  	[sflag:s10] =	ssyncset.done $0x0  }
0x8f: {  	s24 =	simm.s32 $0x550;
	[sflag:s10] =	ssyncadd.s32 $0xFFFFD800  }
0x90: {  	[tilespmem:s28], [sflag:$0x2] =	stream.indirect.gather [spmem:s2], $0x80, s24, s25, $0xb8;
	[tilespmem:$0x1A7B8] =	vst v63  }
0x91: {  	_ =	swait.ge [sflag:s11], $0x2800  }
0x92: {  	[sflag:s11] =	ssyncset.done $0x0  }
0x93: {  	s23 =	sadd.s32 $0xFFFFEC00, s22;
	[sflag:s11] =	ssyncadd.s32 $0xFFFFD800  }
0x94: {  	[hbm4b:s23+s3] =	stream.linear.scatter [tilespmem:s1], [sflag:$0xC], $0x2800, $0x38;
	[tilespmem:$0x1A7B8] =	vst v63  }
0x95: {  	_ =	swait.ge [sflag:s12], $0x2800  }
0x96: {  	[sflag:s12] =	ssyncset.done $0x0  }
0x97: {  	s24 =	simm.s32 $0x5A0;
	[sflag:s12] =	ssyncadd.s32 $0xFFFFD800  }
0x98: {  	[tilespmem:s30], [sflag:$0x3] =	stream.indirect.gather [spmem:s2], $0x80, s24, s25, $0xb8;
	[tilespmem:$0x1A7B8] =	vst v63  }
0x99: {  	_ =	swait.ge [sflag:s13], $0x2800  }
0x9a: {  	[sflag:s13] =	ssyncset.done $0x0  }
0x9b: {  	s23 =	sadd.s32 $0xFFFFF100, s22;
	[sflag:s13] =	ssyncadd.s32 $0xFFFFD800  }
0x9c: {  	[hbm4b:s23+s3] =	stream.linear.scatter [tilespmem:s29], [sflag:$0xD], $0x2800, $0x38;
	[tilespmem:$0x1A7B8] =	vst v63  }
0x9d: {  	_ =	swait.ge [sflag:s14], $0x2800  }
0x9e: {  	[sflag:s14] =	ssyncset.done $0x0  }
0x9f: {  	s24 =	simm.s32 $0x5F0;
	[sflag:s14] =	ssyncadd.s32 $0xFFFFD800  }
0xa0: {  	[tilespmem:s1], [sflag:$0x4] =	stream.indirect.gather [spmem:s2], $0x80, s24, s25, $0xb8;
	[tilespmem:$0x1A7B8] =	vst v63  }
0xa1: {  	_ =	swait.ge [sflag:s15], $0x2800  }
0xa2: {  	[sflag:s15] =	ssyncset.done $0x0  }
0xa3: {  	s23 =	sadd.s32 $0xFFFFF600, s22;
	[sflag:s15] =	ssyncadd.s32 $0xFFFFD800  }
0xa4: {  	[hbm4b:s23+s3] =	stream.linear.scatter [tilespmem:s0], [sflag:$0xE], $0x2800, $0x38;
	[tilespmem:$0x1A7B8] =	vst v63  }
0xa5: {  	_ =	swait.ge [sflag:s16], $0x2800  }
0xa6: {  	[sflag:s16] =	ssyncset.done $0x0  }
0xa7: {  	s24 =	simm.s32 $0x640;
	[sflag:s16] =	ssyncadd.s32 $0xFFFFD800  }
0xa8: {  	[tilespmem:s29], [sflag:$0x5] =	stream.indirect.gather [spmem:s2], $0x80, s24, s25, $0xb8;
	[tilespmem:$0x1A7B8] =	vst v63  }
0xa9: {  	_ =	swait.ge [sflag:s17], $0x2800  }
0xaa: {  	[sflag:s17] =	ssyncset.done $0x0  }
0xab: {  	s23 =	sadd.s32 $0xFFFFFB00, s22;
	[sflag:s17] =	ssyncadd.s32 $0xFFFFD800  }
0xac: {  	[hbm4b:s23+s3] =	stream.linear.scatter [tilespmem:s31], [sflag:$0xF], $0x2800, $0x38;
	[tilespmem:$0x1A7B8] =	vst v63  }
0xad: {  	_ =	swait.ge [sflag:s18], $0x2800  }
0xae: {  	[sflag:s18] =	ssyncset.done $0x0  }
0xaf: {  	s24 =	simm.s32 $0x690;
	[sflag:s18] =	ssyncadd.s32 $0xFFFFD800  }
0xb0: {  	[tilespmem:s0], [sflag:$0x6] =	stream.indirect.gather [spmem:s2], $0x80, s24, s25, $0xb8;
	[tilespmem:$0x1A7B8] =	vst v63  }
0xb1: {  	_ =	swait.ge [sflag:s19], $0x2800  }
0xb2: {  	[sflag:s19] =	ssyncset.done $0x0  }
0xb3: {  	[sflag:s19] =	ssyncadd.s32 $0xFFFFD800  }
0xb4: {  	[hbm4b:s22+s3] =	stream.linear.scatter [tilespmem:s6], [sflag:$0x10], $0x2800, $0x38;
	[tilespmem:$0x1A7B8] =	vst v63  }
0xb5: {  	_ =	swait.ge [sflag:s20], $0x2800  }
0xb6: {  	s5 =	simm.s32 $0xA00;
	[sflag:s20] =	ssyncset.done $0x0  }
0xb7: {  	s23 =	simm.s32 $0x6E0;
	s24 =	sadd.s32 $0x2800, s22;
	[sflag:s20] =	ssyncadd.s32 $0xFFFFD800  }
.LBB2_2:
0xb8: {  	[tilespmem:s31], [sflag:$0x7] =	stream.indirect.gather [spmem:s2], $0x80, s23, s25, $0xb8;
	[tilespmem:$0x1A7B8] =	vst v63  }
0xb9: {  	s23 =	smov.u32 s5  }
0xba: {  	p1 =	sne.s32 s5, $0x17200;
	s5 =	sadd.s32 $0xA00, s5;
	_ =	swait.ge [sflag:s4], $0x2800  }
0xbb: {  	[sflag:s4] =	ssyncset.done $0x0  }
0xbc: {  	s22 =	sadd.s32 $0xFFFFDD00, s24;
	[sflag:s4] =	ssyncadd.s32 $0xFFFFD800  }
0xbd: {  	[hbm4b:s22+s3] =	stream.linear.scatter [tilespmem:s26], [sflag:$0x9], $0x2800, $0x38;
	[tilespmem:$0x1A7B8] =	vst v63  }
0xbe: {  	_ =	swait.ge [sflag:s21], $0x2800  }
0xbf: {  	s23 =	sshra.s32 s23, $0x2;
	[sflag:s21] =	ssyncset.done $0x0  }
0xc0: {  	s22 =	sadd.s32 $0x4B0, s23;
	[sflag:s21] =	ssyncadd.s32 $0xFFFFD800  }
0xc1: {  	[tilespmem:s6], [sflag:$0x8] =	stream.indirect.gather [spmem:s2], $0x80, s22, s25, $0xb8;
	[tilespmem:$0x1A7B8] =	vst v63  }
0xc2: {  	_ =	swait.ge [sflag:s7], $0x2800  }
0xc3: {  	[sflag:s7] =	ssyncset.done $0x0  }
0xc4: {  	s22 =	sadd.s32 $0xFFFFE200, s24;
	[sflag:s7] =	ssyncadd.s32 $0xFFFFD800  }
0xc5: {  	[hbm4b:s22+s3] =	stream.linear.scatter [tilespmem:s28], [sflag:$0xA], $0x2800, $0x38;
	[tilespmem:$0x1A7B8] =	vst v63  }
0xc6: {  	_ =	swait.ge [sflag:s8], $0x2800  }
0xc7: {  	[sflag:s8] =	ssyncset.done $0x0  }
0xc8: {  	s22 =	sadd.s32 $0x500, s23;
	[sflag:s8] =	ssyncadd.s32 $0xFFFFD800  }
0xc9: {  	[tilespmem:s26], [sflag:$0x1] =	stream.indirect.gather [spmem:s2], $0x80, s22, s25, $0xb8;
	[tilespmem:$0x1A7B8] =	vst v63  }
0xca: {  	_ =	swait.ge [sflag:s9], $0x2800  }
0xcb: {  	[sflag:s9] =	ssyncset.done $0x0  }
0xcc: {  	s22 =	sadd.s32 $0xFFFFE700, s24;
	[sflag:s9] =	ssyncadd.s32 $0xFFFFD800  }
0xcd: {  	[hbm4b:s22+s3] =	stream.linear.scatter [tilespmem:s30], [sflag:$0xB], $0x2800, $0x38;
	[tilespmem:$0x1A7B8] =	vst v63  }
0xce: {  	_ =	swait.ge [sflag:s10], $0x2800  }
0xcf: {  	[sflag:s10] =	ssyncset.done $0x0  }
0xd0: {  	s22 =	sadd.s32 $0x550, s23;
	[sflag:s10] =	ssyncadd.s32 $0xFFFFD800  }
0xd1: {  	[tilespmem:s28], [sflag:$0x2] =	stream.indirect.gather [spmem:s2], $0x80, s22, s25, $0xb8;
	[tilespmem:$0x1A7B8] =	vst v63  }
0xd2: {  	_ =	swait.ge [sflag:s11], $0x2800  }
0xd3: {  	[sflag:s11] =	ssyncset.done $0x0  }
0xd4: {  	s22 =	sadd.s32 $0xFFFFEC00, s24;
	[sflag:s11] =	ssyncadd.s32 $0xFFFFD800  }
0xd5: {  	[hbm4b:s22+s3] =	stream.linear.scatter [tilespmem:s1], [sflag:$0xC], $0x2800, $0x38;
	[tilespmem:$0x1A7B8] =	vst v63  }
0xd6: {  	_ =	swait.ge [sflag:s12], $0x2800  }
0xd7: {  	[sflag:s12] =	ssyncset.done $0x0  }
0xd8: {  	s22 =	sadd.s32 $0x5A0, s23;
	[sflag:s12] =	ssyncadd.s32 $0xFFFFD800  }
0xd9: {  	[tilespmem:s30], [sflag:$0x3] =	stream.indirect.gather [spmem:s2], $0x80, s22, s25, $0xb8;
	[tilespmem:$0x1A7B8] =	vst v63  }
0xda: {  	_ =	swait.ge [sflag:s13], $0x2800  }
0xdb: {  	[sflag:s13] =	ssyncset.done $0x0  }
0xdc: {  	s22 =	sadd.s32 $0xFFFFF100, s24;
	[sflag:s13] =	ssyncadd.s32 $0xFFFFD800  }
0xdd: {  	[hbm4b:s22+s3] =	stream.linear.scatter [tilespmem:s29], [sflag:$0xD], $0x2800, $0x38;
	[tilespmem:$0x1A7B8] =	vst v63  }
0xde: {  	_ =	swait.ge [sflag:s14], $0x2800  }
0xdf: {  	[sflag:s14] =	ssyncset.done $0x0  }
0xe0: {  	s22 =	sadd.s32 $0x5F0, s23;
	[sflag:s14] =	ssyncadd.s32 $0xFFFFD800  }
0xe1: {  	[tilespmem:s1], [sflag:$0x4] =	stream.indirect.gather [spmem:s2], $0x80, s22, s25, $0xb8;
	[tilespmem:$0x1A7B8] =	vst v63  }
0xe2: {  	_ =	swait.ge [sflag:s15], $0x2800  }
0xe3: {  	[sflag:s15] =	ssyncset.done $0x0  }
0xe4: {  	s22 =	sadd.s32 $0xFFFFF600, s24;
	[sflag:s15] =	ssyncadd.s32 $0xFFFFD800  }
0xe5: {  	[hbm4b:s22+s3] =	stream.linear.scatter [tilespmem:s0], [sflag:$0xE], $0x2800, $0x38;
	[tilespmem:$0x1A7B8] =	vst v63  }
0xe6: {  	_ =	swait.ge [sflag:s16], $0x2800  }
0xe7: {  	[sflag:s16] =	ssyncset.done $0x0  }
0xe8: {  	s22 =	sadd.s32 $0x640, s23;
	[sflag:s16] =	ssyncadd.s32 $0xFFFFD800  }
0xe9: {  	[tilespmem:s29], [sflag:$0x5] =	stream.indirect.gather [spmem:s2], $0x80, s22, s25, $0xb8;
	[tilespmem:$0x1A7B8] =	vst v63  }
0xea: {  	_ =	swait.ge [sflag:s17], $0x2800  }
0xeb: {  	[sflag:s17] =	ssyncset.done $0x0  }
0xec: {  	s22 =	sadd.s32 $0xFFFFFB00, s24;
	[sflag:s17] =	ssyncadd.s32 $0xFFFFD800  }
0xed: {  	[hbm4b:s22+s3] =	stream.linear.scatter [tilespmem:s31], [sflag:$0xF], $0x2800, $0x38;
	[tilespmem:$0x1A7B8] =	vst v63  }
0xee: {  	_ =	swait.ge [sflag:s18], $0x2800  }
0xef: {  	[sflag:s18] =	ssyncset.done $0x0  }
0xf0: {  	s22 =	sadd.s32 $0x690, s23;
	[sflag:s18] =	ssyncadd.s32 $0xFFFFD800  }
0xf1: {  	[tilespmem:s0], [sflag:$0x6] =	stream.indirect.gather [spmem:s2], $0x80, s22, s25, $0xb8;
	[tilespmem:$0x1A7B8] =	vst v63  }
0xf2: {  	_ =	swait.ge [sflag:s19], $0x2800  }
0xf3: {  	[sflag:s19] =	ssyncset.done $0x0  }
.Ltmp0:
0xf4: {  	[sflag:s19] =	ssyncadd.s32 $0xFFFFD800;
	(pc) =	sbr.rel @p1 .LBB2_2-.Ltmp0, $4  }
0xf5: {  	[hbm4b:s24+s3] =	stream.linear.scatter [tilespmem:s6], [sflag:$0x10], $0x2800, $0x38;
	[tilespmem:$0x1A7B8] =	vst v63  }
0xf6: {  	_ =	swait.ge [sflag:s20], $0x2800  }
0xf7: {  	[sflag:s20] =	ssyncset.done $0x0  }
0xf8: {  	s23 =	sadd.s32 $0x6E0, s23;
	s24 =	sadd.s32 $0x2800, s24;
	[sflag:s20] =	ssyncadd.s32 $0xFFFFD800  }
0xf9: {  	[tilespmem:s31], [sflag:$0x7] =	stream.indirect.gather [spmem:s2], $0x80, s23, s25, $0xb8;
	[tilespmem:$0x1A7B8] =	vst v63  }
0xfa: {  	_ =	swait.ge [sflag:s4], $0x2800  }
0xfb: {  	[sflag:s4] =	ssyncset.done $0x0  }
0xfc: {  	s5 =	rddreg [dreg:$0xe];
	[sflag:s4] =	ssyncadd.s32 $0xFFFFD800  }
0xfd: {  	[hbm4b:s5+s3] =	stream.linear.scatter [tilespmem:s26], [sflag:$0x9], $0x2800, $0x38;
	[tilespmem:$0x1A7B8] =	vst v63  }
0xfe: {  	_ =	swait.ge [sflag:s21], $0x2800  }
0xff: {  	[sflag:s21] =	ssyncset.done $0x0  }
0x100: {  	s22 =	simm.s32 $0x63B0;
	[sflag:s21] =	ssyncadd.s32 $0xFFFFD800  }
0x101: {  	[tilespmem:s6], [sflag:$0x8] =	stream.indirect.gather [spmem:s2], $0x80, s22, s25, $0xb8;
	[tilespmem:$0x1A7B8] =	vst v63  }
0x102: {  	_ =	swait.ge [sflag:s7], $0x2800  }
0x103: {  	[sflag:s7] =	ssyncset.done $0x0  }
0x104: {  	s23 =	rddreg [dreg:$0xf];
	[sflag:s7] =	ssyncadd.s32 $0xFFFFD800  }
0x105: {  	[hbm4b:s23+s3] =	stream.linear.scatter [tilespmem:s28], [sflag:$0xA], $0x2800, $0x38;
	[tilespmem:$0x1A7B8] =	vst v63  }
0x106: {  	_ =	swait.ge [sflag:s9], $0x2800  }
0x107: {  	[sflag:s9] =	ssyncset.done $0x0  }
0x108: {  	s24 =	rddreg [dreg:$0x10];
	[sflag:s9] =	ssyncadd.s32 $0xFFFFD800  }
0x109: {  	[hbm4b:s24+s3] =	stream.linear.scatter [tilespmem:s30], [sflag:$0xB], $0x2800, $0x38;
	[tilespmem:$0x1A7B8] =	vst v63  }
0x10a: {  	_ =	swait.ge [sflag:s11], $0x2800  }
0x10b: {  	[sflag:s11] =	ssyncset.done $0x0  }
0x10c: {  	s22 =	rddreg [dreg:$0x11];
	[sflag:s11] =	ssyncadd.s32 $0xFFFFD800  }
0x10d: {  	[hbm4b:s22+s3] =	stream.linear.scatter [tilespmem:s1], [sflag:$0xC], $0x2800, $0x38;
	[tilespmem:$0x1A7B8] =	vst v63  }
0x10e: {  	_ =	swait.ge [sflag:s13], $0x2800  }
0x10f: {  	[sflag:s13] =	ssyncset.done $0x0  }
0x110: {  	s23 =	rddreg [dreg:$0x12];
	[sflag:s13] =	ssyncadd.s32 $0xFFFFD800  }
0x111: {  	[hbm4b:s23+s3] =	stream.linear.scatter [tilespmem:s29], [sflag:$0xD], $0x2800, $0x38;
	[tilespmem:$0x1A7B8] =	vst v63  }
0x112: {  	_ =	swait.ge [sflag:s15], $0x2800  }
0x113: {  	[sflag:s15] =	ssyncset.done $0x0  }
0x114: {  	s24 =	rddreg [dreg:$0x13];
	[sflag:s15] =	ssyncadd.s32 $0xFFFFD800  }
0x115: {  	[hbm4b:s24+s3] =	stream.linear.scatter [tilespmem:s0], [sflag:$0xE], $0x2800, $0x38;
	[tilespmem:$0x1A7B8] =	vst v63  }
0x116: {  	_ =	swait.ge [sflag:s17], $0x2800  }
0x117: {  	[sflag:s17] =	ssyncset.done $0x0  }
0x118: {  	s22 =	rddreg [dreg:$0x14];
	[sflag:s17] =	ssyncadd.s32 $0xFFFFD800  }
0x119: {  	[hbm4b:s22+s3] =	stream.linear.scatter [tilespmem:s31], [sflag:$0xF], $0x2800, $0x38;
	[tilespmem:$0x1A7B8] =	vst v63  }
0x11a: {  	_ =	swait.ge [sflag:s19], $0x2800  }
0x11b: {  	[sflag:s19] =	ssyncset.done $0x0  }
0x11c: {  	s23 =	rddreg [dreg:$0x15];
	[sflag:s19] =	ssyncadd.s32 $0xFFFFD800  }
0x11d: {  	[hbm4b:s23+s3] =	stream.linear.scatter [tilespmem:s6], [sflag:$0x10], $0x2800, $0x38;
	[tilespmem:$0x1A7B8] =	vst v63  }
0x11e: {  	_ =	swait.ge [sflag:s8], $0x2800  }
0x11f: {  	[sflag:s8] =	ssyncset.done $0x0  }
0x120: {  	[sflag:s8] =	ssyncadd.s32 $0xFFFFD800  }
0x121: {  	_ =	swait.ge [sflag:s10], $0x2800  }
0x122: {  	[sflag:s10] =	ssyncset.done $0x0  }
0x123: {  	[sflag:s10] =	ssyncadd.s32 $0xFFFFD800  }
0x124: {  	_ =	swait.ge [sflag:s12], $0x2800  }
0x125: {  	[sflag:s12] =	ssyncset.done $0x0  }
0x126: {  	[sflag:s12] =	ssyncadd.s32 $0xFFFFD800  }
0x127: {  	_ =	swait.ge [sflag:s14], $0x2800  }
0x128: {  	[sflag:s14] =	ssyncset.done $0x0  }
0x129: {  	[sflag:s14] =	ssyncadd.s32 $0xFFFFD800  }
0x12a: {  	_ =	swait.ge [sflag:s16], $0x2800  }
0x12b: {  	[sflag:s16] =	ssyncset.done $0x0  }
0x12c: {  	[sflag:s16] =	ssyncadd.s32 $0xFFFFD800  }
0x12d: {  	_ =	swait.ge [sflag:s18], $0x2800  }
0x12e: {  	[sflag:s18] =	ssyncset.done $0x0  }
0x12f: {  	[sflag:s18] =	ssyncadd.s32 $0xFFFFD800  }
0x130: {  	_ =	swait.ge [sflag:s20], $0x2800  }
0x131: {  	[sflag:s20] =	ssyncset.done $0x0  }
0x132: {  	[sflag:s20] =	ssyncadd.s32 $0xFFFFD800  }
0x133: {  	_ =	swait.ge [sflag:s21], $0x2800  }
0x134: {  	s22 =	rddreg [dreg:$0x19]  }
0x135: {  	s24 =	rddreg [dreg:$0x16];
	s22 =	sadd.s32 $0x1, s22  }
0x136: {  	p1 =	sne.s32 s22, s24  }
.Ltmp1:
0x137: {  	_ = 	snop;
	(pc) =	sbr.rel @p1 .LBB2_1-.Ltmp1, $3  }
0x138: {  	_ =	sdelay $0x1  }
0x139: {  	[sflag:s21] =	ssyncset.done $0x0  }
0x13a: {  	[sflag:s21] =	ssyncadd.s32 $0xFFFFD800  }
0x13b: {  	_ =	sfence.sel $0x180000  }
0x13c: {  	[bflag:$0x0] =	sbarrier.arrive $0xFFFF  }
0x13d: {  	_ =	strace $0x90000047  }
0x13e: {  	[bflag:$0x2] =	sbarrier.arrive $0xFFFF  }
0x13f: {  	s0 =	rddreg [dreg:$0x4]  }
0x140: {  	s0 =	sadd.s32 @!p0 $0x100000, s0  }
0x141: {  	[sflag:s0] =	ssyncadd.tile.s32 @!p0 $0x1;
	_ =	shalt  }
.Lfunc_end2:
_tile_overlayer_lowered:
.L_overlay_start_2:
0x142: {  	(tag) =	ssettag $0x2  }
0x143: {  	s0 =	rddreg [dreg:$0x0];
	s2 =	stileid.u32  }
0x144: {  	s1 =	rddreg [dreg:$0x1];
	p0 =	sne.s32 s2, $0x0  }
0x145: {  	s3 =	rddreg [dreg:$0x2];
	[bflag:$0x3] =	sbarrier.arrive $0xFFFF;
	s2 =	simm.s32 @!p0 $0x1C11  }
0x146: {  	[timem:s3], [sflag:s2] =	dma.local @!p0 [hbm:s0], s1  }
0x147: {  	s0 =	simm.s32 @!p0 $0x11  }
0x148: {  	_ =	swait.ge @!p0 [sflag:s0], s1  }
0x149: {  	s1 =	ssub.s32 @!p0 $0x0, s1;
	[sflag:s0] =	ssyncset.done @!p0 $0x0  }
0x14a: {  	[sflag:s0] =	ssyncadd.s32 @!p0 s1  }
0x14b: {  	[bflag:$0x3] =	sbarrier.arrive $0xFFFF  }
0x14c: {  	_ =	shalt  }

</sc_bundles>
